<compile_context>
chip_gen: v7x
topology: tpu7x:2x2x1
jax: 0.10.2.dev20260603
libtpu: 0.0.44.dev20260713+nightly
codegen_flags: <defaults>
</compile_context>

<pallas_src>
import jax
import jax.numpy as jnp
from jax import lax
from jax.experimental import pallas as pl
from jax.experimental.pallas import tpu as pltpu
from jax.experimental.pallas import tpu_sc as plsc

_WIN = 128
_NBUF = 5


def kernel(x, table):
    batch, seq = x.shape
    vocab, dim = table.shape
    pdim = 2 * dim
    tab128 = jnp.pad(table, ((0, 0), (0, pdim - dim)))
    x_t = x.T

    mesh = plsc.VectorSubcoreMesh(core_axis_name="core",
                                  subcore_axis_name="subcore")
    n_workers = 2 * 16
    assert batch % (n_workers * _WIN) == 0
    chunks_per_worker = batch // (n_workers * _WIN)

    @pl.kernel(
        out_type=jax.ShapeDtypeStruct((batch, seq, pdim), table.dtype),
        mesh=mesh,
        scratch_types=[
            pltpu.VMEM((seq, _WIN), jnp.int32),
            pltpu.VMEM((_NBUF * _WIN, pdim), jnp.float32),
            pltpu.SemaphoreType.DMA,
            pltpu.SemaphoreType.DMA,
            pltpu.SemaphoreType.DMA,
        ],
        compiler_params=pltpu.CompilerParams(needs_layout_passes=False),
    )
    def gather_kernel(tab_hbm, xt_hbm, out_hbm, idx_v, rows_v,
                      gsem, osem, isem):
        wid = lax.axis_index("subcore") * 2 + lax.axis_index("core")

        @pl.loop(0, chunks_per_worker)
        def _(chunk):
            b0 = (wid * chunks_per_worker + chunk) * _WIN
            pltpu.async_copy(xt_hbm.at[:, pl.ds(b0, _WIN)], idx_v,
                             isem).wait()

            for j in range(_NBUF - 1):
                pltpu.async_copy(tab_hbm.at[idx_v.at[j]],
                                 rows_v.at[pl.ds(j * _WIN, _WIN)], gsem)

            @pl.loop(0, seq // _NBUF)
            def _(i):
                l0 = i * _NBUF
                for nb in range(_NBUF):
                    l = l0 + nb
                    m = (nb + _NBUF - 1) % _NBUF
                    @pl.when(l >= 1)
                    def _():
                        pltpu.make_async_copy(
                            rows_v.at[pl.ds(m * _WIN, _WIN)],
                            out_hbm.at[pl.ds(b0, _WIN), l - 1, :],
                            osem).wait()

                    @pl.when(l + _NBUF - 1 < seq)
                    def _():
                        pltpu.async_copy(
                            tab_hbm.at[idx_v.at[l + _NBUF - 1]],
                            rows_v.at[pl.ds(m * _WIN, _WIN)], gsem)

                    pltpu.make_async_copy(
                        tab_hbm.at[idx_v.at[l]],
                        rows_v.at[pl.ds(nb * _WIN, _WIN)], gsem).wait()
                    pltpu.async_copy(
                        rows_v.at[pl.ds(nb * _WIN, _WIN)],
                        out_hbm.at[pl.ds(b0, _WIN), l, :], osem)

            pltpu.make_async_copy(
                rows_v.at[pl.ds(((seq - 1) % _NBUF) * _WIN, _WIN)],
                out_hbm.at[pl.ds(b0, _WIN), seq - 1, :], osem).wait()

    out3 = gather_kernel(tab128, x_t)
    return out3[:, :, :dim]

# --- scband reference (transcript-rebuilt; emitter-appended) ---
"""Pipeline reference for scband-text-embeddings-51531017617861 (READ-ONLY COPY).

The authoritative reference and input builder live on the scoring server;
editing this copy changes nothing except your own understanding.
"""

import jax, jax.numpy as jnp
import numpy as np

VOCAB = 1000000
DIM = 64
B = 4096
L = 200

def setup_inputs(seed: int = 0) -> dict:
    key = jax.random.key(seed)
    k_idx, k_tab = jax.random.split(key)
    x = jax.random.randint(k_idx, (B, L), 0, VOCAB, dtype=jnp.int64 if jax.config.jax_enable_x64 else jnp.int32)
    table = jax.random.normal(k_tab, (VOCAB, DIM), dtype=jnp.float32)
    return {"x": x, "table": table}

def reference(x, table):
    # nn.Embedding forward: row gather from embedding table
    return jnp.take(table, x, axis=0)

if __name__ == "__main__":
    import jax
    _d = setup_inputs()
    print(jax.jit(kernel)(*tuple(_d.values())))

</pallas_src>

<mosaic_0001>
#map = affine_map<(d0, d1) -> (0, 0)>
#map1 = affine_map<(d0, d1) -> (0, 0, 0)>
module attributes {stable_mosaic.version = 14 : i64} {
  func.func @gather_kernel(%arg0: i32, %arg1: i32, %arg2: memref<1000000x128xf32, #tpu.memory_space<hbm>>, %arg3: memref<200x4096xi32, #tpu.memory_space<hbm>>, %arg4: memref<4096x200x128xf32, #tpu.memory_space<hbm>>, %arg5: memref<200x128xi32, #tpu.memory_space<vmem>>, %arg6: memref<640x128xf32, #tpu.memory_space<vmem>>, %arg7: memref<!tpu.dma_semaphore, #tpu.memory_space<semaphore_mem>>, %arg8: memref<!tpu.dma_semaphore, #tpu.memory_space<semaphore_mem>>, %arg9: memref<!tpu.dma_semaphore, #tpu.memory_space<semaphore_mem>>) attributes {dimension_semantics = [#tpu.dimension_semantics<core_parallel>, #tpu.dimension_semantics<subcore_parallel>], iteration_bounds = array<i64: 2, 16>, scalar_prefetch = 0 : i64, scratch_operands = 5 : i64, tpu.core_type = #tpu.core_type<sc_vector_subcore>, window_params = [{transform_indices = #map}, {transform_indices = #map}, {transform_indices = #map1}]} {
    %mul3A = arith.constant 2 : i32
    %mul3A_0 = arith.muli %arg1, %mul3A : i32
    %add3A = arith.addi %mul3A_0, %arg0 : i32
    %scan3A = arith.constant 0 : i32
    %mul3A_1 = arith.constant 1 : i32
    %mul3A_2 = arith.muli %scan3A, %mul3A_1 : i32
    %add3A_3 = arith.constant 0 : i32
    %add3A_4 = arith.addi %add3A_3, %mul3A_2 : i32
    %mul3A_5 = arith.constant 1 : i32
    %mul3A_6 = arith.muli %add3A, %mul3A_5 : i32
    %add3A_7 = arith.addi %mul3A_6, %add3A_4 : i32
    %mul3A_8 = arith.constant 128 : i32
    %mul3A_9 = arith.muli %add3A_7, %mul3A_8 : i32
    %dma_start3A = arith.constant 0 : i32
    %dma_start3A_10 = tpu.memref_slice %arg3[%dma_start3A, %mul3A_9] : memref<200x4096xi32, #tpu.memory_space<hbm>> -> memref<200x128xi32, #tpu.memory_space<hbm>>
    %dma_start3A_11 = arith.constant 0 : i32
    %dma_start3A_12 = tpu.memref_slice %arg3[%dma_start3A_11, %mul3A_9] : memref<200x4096xi32, #tpu.memory_space<hbm>> -> memref<200x128xi32, #tpu.memory_space<hbm>>
    tpu.enqueue_dma source(%dma_start3A_12 : memref<200x128xi32, #tpu.memory_space<hbm>>) target(%arg5 : memref<200x128xi32, #tpu.memory_space<vmem>>) target_semaphore(%arg9 : memref<!tpu.dma_semaphore, #tpu.memory_space<semaphore_mem>>)
    %dma_wait3A = arith.constant 0 : i32
    %dma_wait3A_13 = tpu.memref_slice %arg3[%dma_wait3A, %mul3A_9] : memref<200x4096xi32, #tpu.memory_space<hbm>> -> memref<200x128xi32, #tpu.memory_space<hbm>>
    %dma_wait3A_14 = arith.constant 0 : i32
    %dma_wait3A_15 = tpu.memref_slice %arg3[%dma_wait3A_14, %mul3A_9] : memref<200x4096xi32, #tpu.memory_space<hbm>> -> memref<200x128xi32, #tpu.memory_space<hbm>>
    tpu.wait_dma2 semaphore(%arg9 : memref<!tpu.dma_semaphore, #tpu.memory_space<semaphore_mem>>) src(%dma_wait3A_15 : memref<200x128xi32, #tpu.memory_space<hbm>>) dst(%arg5 : memref<200x128xi32, #tpu.memory_space<vmem>>)
    %dma_start3A_16 = arith.constant 0 : i32
    %dma_start3A_17 = arith.constant 0 : i32
    %dma_start3A_18 = arith.constant 0 : i32
    %dma_start3A_19 = tpu.memref_slice %arg6[%dma_start3A_17, %dma_start3A_18] : memref<640x128xf32, #tpu.memory_space<vmem>> -> memref<128x128xf32, #tpu.memory_space<vmem>>
    %dma_start3A_20 = arith.constant 0 : i32
    %dma_start3A_21 = tpu.memref_slice %arg5[%dma_start3A_16, %dma_start3A_20] : memref<200x128xi32, #tpu.memory_space<vmem>> -> memref<1x128xi32, #tpu.memory_space<vmem>>
    %dma_start3A_22 = tpu.memref_squeeze %dma_start3A_21 : memref<1x128xi32, #tpu.memory_space<vmem>> -> memref<128xi32, #tpu.memory_space<vmem>>
    %dma_start3A_23 = arith.constant 0 : i32
    %dma_start3A_24 = arith.constant 0 : i32
    %dma_start3A_25 = tpu.memref_slice %arg2[%dma_start3A_23, %dma_start3A_24] : memref<1000000x128xf32, #tpu.memory_space<hbm>> -> memref<1000000x128xf32, #tpu.memory_space<hbm>>
    tpu.enqueue_indirect_dma source(%dma_start3A_25 : memref<1000000x128xf32, #tpu.memory_space<hbm>>) target(%dma_start3A_19 : memref<128x128xf32, #tpu.memory_space<vmem>>) offsets(%dma_start3A_22 : memref<128xi32, #tpu.memory_space<vmem>>) semaphore(%arg7 : memref<!tpu.dma_semaphore, #tpu.memory_space<semaphore_mem>>)
    %dma_start3A_26 = arith.constant 1 : i32
    %dma_start3A_27 = arith.constant 128 : i32
    %dma_start3A_28 = arith.constant 0 : i32
    %dma_start3A_29 = tpu.memref_slice %arg6[%dma_start3A_27, %dma_start3A_28] : memref<640x128xf32, #tpu.memory_space<vmem>> -> memref<128x128xf32, #tpu.memory_space<vmem>>
    %dma_start3A_30 = arith.constant 0 : i32
    %dma_start3A_31 = tpu.memref_slice %arg5[%dma_start3A_26, %dma_start3A_30] : memref<200x128xi32, #tpu.memory_space<vmem>> -> memref<1x128xi32, #tpu.memory_space<vmem>>
    %dma_start3A_32 = tpu.memref_squeeze %dma_start3A_31 : memref<1x128xi32, #tpu.memory_space<vmem>> -> memref<128xi32, #tpu.memory_space<vmem>>
    %dma_start3A_33 = arith.constant 0 : i32
    %dma_start3A_34 = arith.constant 0 : i32
    %dma_start3A_35 = tpu.memref_slice %arg2[%dma_start3A_33, %dma_start3A_34] : memref<1000000x128xf32, #tpu.memory_space<hbm>> -> memref<1000000x128xf32, #tpu.memory_space<hbm>>
    tpu.enqueue_indirect_dma source(%dma_start3A_35 : memref<1000000x128xf32, #tpu.memory_space<hbm>>) target(%dma_start3A_29 : memref<128x128xf32, #tpu.memory_space<vmem>>) offsets(%dma_start3A_32 : memref<128xi32, #tpu.memory_space<vmem>>) semaphore(%arg7 : memref<!tpu.dma_semaphore, #tpu.memory_space<semaphore_mem>>)
    %dma_start3A_36 = arith.constant 2 : i32
    %dma_start3A_37 = arith.constant 256 : i32
    %dma_start3A_38 = arith.constant 0 : i32
    %dma_start3A_39 = tpu.memref_slice %arg6[%dma_start3A_37, %dma_start3A_38] : memref<640x128xf32, #tpu.memory_space<vmem>> -> memref<128x128xf32, #tpu.memory_space<vmem>>
    %dma_start3A_40 = arith.constant 0 : i32
    %dma_start3A_41 = tpu.memref_slice %arg5[%dma_start3A_36, %dma_start3A_40] : memref<200x128xi32, #tpu.memory_space<vmem>> -> memref<1x128xi32, #tpu.memory_space<vmem>>
    %dma_start3A_42 = tpu.memref_squeeze %dma_start3A_41 : memref<1x128xi32, #tpu.memory_space<vmem>> -> memref<128xi32, #tpu.memory_space<vmem>>
    %dma_start3A_43 = arith.constant 0 : i32
    %dma_start3A_44 = arith.constant 0 : i32
    %dma_start3A_45 = tpu.memref_slice %arg2[%dma_start3A_43, %dma_start3A_44] : memref<1000000x128xf32, #tpu.memory_space<hbm>> -> memref<1000000x128xf32, #tpu.memory_space<hbm>>
    tpu.enqueue_indirect_dma source(%dma_start3A_45 : memref<1000000x128xf32, #tpu.memory_space<hbm>>) target(%dma_start3A_39 : memref<128x128xf32, #tpu.memory_space<vmem>>) offsets(%dma_start3A_42 : memref<128xi32, #tpu.memory_space<vmem>>) semaphore(%arg7 : memref<!tpu.dma_semaphore, #tpu.memory_space<semaphore_mem>>)
    %dma_start3A_46 = arith.constant 3 : i32
    %dma_start3A_47 = arith.constant 384 : i32
    %dma_start3A_48 = arith.constant 0 : i32
    %dma_start3A_49 = tpu.memref_slice %arg6[%dma_start3A_47, %dma_start3A_48] : memref<640x128xf32, #tpu.memory_space<vmem>> -> memref<128x128xf32, #tpu.memory_space<vmem>>
    %dma_start3A_50 = arith.constant 0 : i32
    %dma_start3A_51 = tpu.memref_slice %arg5[%dma_start3A_46, %dma_start3A_50] : memref<200x128xi32, #tpu.memory_space<vmem>> -> memref<1x128xi32, #tpu.memory_space<vmem>>
    %dma_start3A_52 = tpu.memref_squeeze %dma_start3A_51 : memref<1x128xi32, #tpu.memory_space<vmem>> -> memref<128xi32, #tpu.memory_space<vmem>>
    %dma_start3A_53 = arith.constant 0 : i32
    %dma_start3A_54 = arith.constant 0 : i32
    %dma_start3A_55 = tpu.memref_slice %arg2[%dma_start3A_53, %dma_start3A_54] : memref<1000000x128xf32, #tpu.memory_space<hbm>> -> memref<1000000x128xf32, #tpu.memory_space<hbm>>
    tpu.enqueue_indirect_dma source(%dma_start3A_55 : memref<1000000x128xf32, #tpu.memory_space<hbm>>) target(%dma_start3A_49 : memref<128x128xf32, #tpu.memory_space<vmem>>) offsets(%dma_start3A_52 : memref<128xi32, #tpu.memory_space<vmem>>) semaphore(%arg7 : memref<!tpu.dma_semaphore, #tpu.memory_space<semaphore_mem>>)
    %scan3A_56 = arith.constant 0 : i32
    %scan3A_57 = arith.constant 40 : i32
    %scan3A_58 = arith.addi %scan3A_56, %scan3A_57 : i32
    %scan3A_59 = arith.constant 1 : i32
    scf.for %scan3A_75 = %scan3A_56 to %scan3A_58 step %scan3A_59  : i32 {
      %mul3A_76 = arith.constant 1 : i32
      %mul3A_77 = arith.muli %scan3A_75, %mul3A_76 : i32
      %add3A_78 = arith.constant 0 : i32
      %add3A_79 = arith.addi %add3A_78, %mul3A_77 : i32
      %mul3A_80 = arith.constant 5 : i32
      %mul3A_81 = arith.muli %add3A_79, %mul3A_80 : i32
      %add3A_82 = arith.constant 0 : i32
      %add3A_83 = arith.addi %mul3A_81, %add3A_82 : i32
      %ge3A = arith.constant 1 : i32
      %ge3A_84 = arith.cmpi sge, %add3A_83, %ge3A : i32
      %convert_element_type3A = arith.extui %ge3A_84 : i1 to i32
      %cond3A = arith.constant 0 : i32
      %cond3A_85 = arith.cmpi ne, %convert_element_type3A, %cond3A : i32
      scf.if %cond3A_85 {
        %sub3A_262 = arith.constant 1 : i32
        %sub3A_263 = arith.subi %add3A_83, %sub3A_262 : i32
        %dma_wait3A_264 = arith.constant 512 : i32
        %dma_wait3A_265 = arith.constant 0 : i32
        %dma_wait3A_266 = tpu.memref_slice %arg6[%dma_wait3A_264, %dma_wait3A_265] : memref<640x128xf32, #tpu.memory_space<vmem>> -> memref<128x128xf32, #tpu.memory_space<vmem>>
        %dma_wait3A_267 = arith.constant 0 : i32
        %dma_wait3A_268 = tpu.memref_slice %arg4[%mul3A_9, %sub3A_263, %dma_wait3A_267] : memref<4096x200x128xf32, #tpu.memory_space<hbm>> -> memref<128x1x128xf32, #tpu.memory_space<hbm>>
        %dma_wait3A_269 = tpu.memref_squeeze %dma_wait3A_268 : memref<128x1x128xf32, #tpu.memory_space<hbm>> -> memref<128x128xf32, #tpu.memory_space<hbm>>
        %dma_wait3A_270 = arith.constant 0 : i32
        %dma_wait3A_271 = tpu.memref_slice %arg4[%mul3A_9, %sub3A_263, %dma_wait3A_270] : memref<4096x200x128xf32, #tpu.memory_space<hbm>> -> memref<128x1x128xf32, #tpu.memory_space<hbm>>
        %dma_wait3A_272 = tpu.memref_squeeze %dma_wait3A_271 : memref<128x1x128xf32, #tpu.memory_space<hbm>> -> memref<128x128xf32, #tpu.memory_space<hbm>>
        %dma_wait3A_273 = arith.constant 512 : i32
        %dma_wait3A_274 = arith.constant 0 : i32
        %dma_wait3A_275 = tpu.memref_slice %arg6[%dma_wait3A_273, %dma_wait3A_274] : memref<640x128xf32, #tpu.memory_space<vmem>> -> memref<128x128xf32, #tpu.memory_space<vmem>>
        tpu.wait_dma2 semaphore(%arg8 : memref<!tpu.dma_semaphore, #tpu.memory_space<semaphore_mem>>) src(%dma_wait3A_275 : memref<128x128xf32, #tpu.memory_space<vmem>>) dst(%dma_wait3A_272 : memref<128x128xf32, #tpu.memory_space<hbm>>)
      } else {
      }
      %add3A_86 = arith.constant 5 : i32
      %add3A_87 = arith.addi %add3A_83, %add3A_86 : i32
      %sub3A = arith.constant 1 : i32
      %sub3A_88 = arith.subi %add3A_87, %sub3A : i32
      %lt3A = arith.constant 200 : i32
      %lt3A_89 = arith.cmpi slt, %sub3A_88, %lt3A : i32
      %convert_element_type3A_90 = arith.extui %lt3A_89 : i1 to i32
      %cond3A_91 = arith.constant 0 : i32
      %cond3A_92 = arith.cmpi ne, %convert_element_type3A_90, %cond3A_91 : i32
      scf.if %cond3A_92 {
        %add3A_262 = arith.constant 5 : i32
        %add3A_263 = arith.addi %add3A_83, %add3A_262 : i32
        %sub3A_264 = arith.constant 1 : i32
        %sub3A_265 = arith.subi %add3A_263, %sub3A_264 : i32
        %dma_start3A_266 = arith.constant 512 : i32
        %dma_start3A_267 = arith.constant 0 : i32
        %dma_start3A_268 = tpu.memref_slice %arg6[%dma_start3A_266, %dma_start3A_267] : memref<640x128xf32, #tpu.memory_space<vmem>> -> memref<128x128xf32, #tpu.memory_space<vmem>>
        %dma_start3A_269 = arith.constant 0 : i32
        %dma_start3A_270 = tpu.memref_slice %arg5[%sub3A_265, %dma_start3A_269] : memref<200x128xi32, #tpu.memory_space<vmem>> -> memref<1x128xi32, #tpu.memory_space<vmem>>
        %dma_start3A_271 = tpu.memref_squeeze %dma_start3A_270 : memref<1x128xi32, #tpu.memory_space<vmem>> -> memref<128xi32, #tpu.memory_space<vmem>>
        %dma_start3A_272 = arith.constant 0 : i32
        %dma_start3A_273 = arith.constant 0 : i32
        %dma_start3A_274 = tpu.memref_slice %arg2[%dma_start3A_272, %dma_start3A_273] : memref<1000000x128xf32, #tpu.memory_space<hbm>> -> memref<1000000x128xf32, #tpu.memory_space<hbm>>
        tpu.enqueue_indirect_dma source(%dma_start3A_274 : memref<1000000x128xf32, #tpu.memory_space<hbm>>) target(%dma_start3A_268 : memref<128x128xf32, #tpu.memory_space<vmem>>) offsets(%dma_start3A_271 : memref<128xi32, #tpu.memory_space<vmem>>) semaphore(%arg7 : memref<!tpu.dma_semaphore, #tpu.memory_space<semaphore_mem>>)
      } else {
      }
      %dma_wait3A_93 = arith.constant 0 : i32
      %dma_wait3A_94 = arith.constant 0 : i32
      %dma_wait3A_95 = tpu.memref_slice %arg6[%dma_wait3A_93, %dma_wait3A_94] : memref<640x128xf32, #tpu.memory_space<vmem>> -> memref<128x128xf32, #tpu.memory_space<vmem>>
      %dma_wait3A_96 = arith.constant 0 : i32
      %dma_wait3A_97 = tpu.memref_slice %arg5[%add3A_83, %dma_wait3A_96] : memref<200x128xi32, #tpu.memory_space<vmem>> -> memref<1x128xi32, #tpu.memory_space<vmem>>
      %dma_wait3A_98 = tpu.memref_squeeze %dma_wait3A_97 : memref<1x128xi32, #tpu.memory_space<vmem>> -> memref<128xi32, #tpu.memory_space<vmem>>
      %dma_wait3A_99 = arith.constant 0 : i32
      %dma_wait3A_100 = arith.constant 0 : i32
      %dma_wait3A_101 = tpu.memref_slice %arg2[%dma_wait3A_99, %dma_wait3A_100] : memref<1000000x128xf32, #tpu.memory_space<hbm>> -> memref<1000000x128xf32, #tpu.memory_space<hbm>>
      tpu.wait_indirect_dma semaphore(%arg7 : memref<!tpu.dma_semaphore, #tpu.memory_space<semaphore_mem>>) src(%dma_wait3A_101 : memref<1000000x128xf32, #tpu.memory_space<hbm>>) dst(%dma_wait3A_95 : memref<128x128xf32, #tpu.memory_space<vmem>>)
      %dma_start3A_102 = arith.constant 0 : i32
      %dma_start3A_103 = arith.constant 0 : i32
      %dma_start3A_104 = tpu.memref_slice %arg6[%dma_start3A_102, %dma_start3A_103] : memref<640x128xf32, #tpu.memory_space<vmem>> -> memref<128x128xf32, #tpu.memory_space<vmem>>
      %dma_start3A_105 = arith.constant 0 : i32
      %dma_start3A_106 = tpu.memref_slice %arg4[%mul3A_9, %add3A_83, %dma_start3A_105] : memref<4096x200x128xf32, #tpu.memory_space<hbm>> -> memref<128x1x128xf32, #tpu.memory_space<hbm>>
      %dma_start3A_107 = tpu.memref_squeeze %dma_start3A_106 : memref<128x1x128xf32, #tpu.memory_space<hbm>> -> memref<128x128xf32, #tpu.memory_space<hbm>>
      %dma_start3A_108 = arith.constant 0 : i32
      %dma_start3A_109 = tpu.memref_slice %arg4[%mul3A_9, %add3A_83, %dma_start3A_108] : memref<4096x200x128xf32, #tpu.memory_space<hbm>> -> memref<128x1x128xf32, #tpu.memory_space<hbm>>
      %dma_start3A_110 = tpu.memref_squeeze %dma_start3A_109 : memref<128x1x128xf32, #tpu.memory_space<hbm>> -> memref<128x128xf32, #tpu.memory_space<hbm>>
      %dma_start3A_111 = arith.constant 0 : i32
      %dma_start3A_112 = arith.constant 0 : i32
      %dma_start3A_113 = tpu.memref_slice %arg6[%dma_start3A_111, %dma_start3A_112] : memref<640x128xf32, #tpu.memory_space<vmem>> -> memref<128x128xf32, #tpu.memory_space<vmem>>
      tpu.enqueue_dma source(%dma_start3A_113 : memref<128x128xf32, #tpu.memory_space<vmem>>) target(%dma_start3A_110 : memref<128x128xf32, #tpu.memory_space<hbm>>) target_semaphore(%arg8 : memref<!tpu.dma_semaphore, #tpu.memory_space<semaphore_mem>>)
      %add3A_114 = arith.constant 1 : i32
      %add3A_115 = arith.addi %mul3A_81, %add3A_114 : i32
      %ge3A_116 = arith.constant 1 : i32
      %ge3A_117 = arith.cmpi sge, %add3A_115, %ge3A_116 : i32
      %convert_element_type3A_118 = arith.extui %ge3A_117 : i1 to i32
      %cond3A_119 = arith.constant 0 : i32
      %cond3A_120 = arith.cmpi ne, %convert_element_type3A_118, %cond3A_119 : i32
      scf.if %cond3A_120 {
        %sub3A_262 = arith.constant 1 : i32
        %sub3A_263 = arith.subi %add3A_115, %sub3A_262 : i32
        %dma_wait3A_264 = arith.constant 0 : i32
        %dma_wait3A_265 = arith.constant 0 : i32
        %dma_wait3A_266 = tpu.memref_slice %arg6[%dma_wait3A_264, %dma_wait3A_265] : memref<640x128xf32, #tpu.memory_space<vmem>> -> memref<128x128xf32, #tpu.memory_space<vmem>>
        %dma_wait3A_267 = arith.constant 0 : i32
        %dma_wait3A_268 = tpu.memref_slice %arg4[%mul3A_9, %sub3A_263, %dma_wait3A_267] : memref<4096x200x128xf32, #tpu.memory_space<hbm>> -> memref<128x1x128xf32, #tpu.memory_space<hbm>>
        %dma_wait3A_269 = tpu.memref_squeeze %dma_wait3A_268 : memref<128x1x128xf32, #tpu.memory_space<hbm>> -> memref<128x128xf32, #tpu.memory_space<hbm>>
        %dma_wait3A_270 = arith.constant 0 : i32
        %dma_wait3A_271 = tpu.memref_slice %arg4[%mul3A_9, %sub3A_263, %dma_wait3A_270] : memref<4096x200x128xf32, #tpu.memory_space<hbm>> -> memref<128x1x128xf32, #tpu.memory_space<hbm>>
        %dma_wait3A_272 = tpu.memref_squeeze %dma_wait3A_271 : memref<128x1x128xf32, #tpu.memory_space<hbm>> -> memref<128x128xf32, #tpu.memory_space<hbm>>
        %dma_wait3A_273 = arith.constant 0 : i32
        %dma_wait3A_274 = arith.constant 0 : i32
        %dma_wait3A_275 = tpu.memref_slice %arg6[%dma_wait3A_273, %dma_wait3A_274] : memref<640x128xf32, #tpu.memory_space<vmem>> -> memref<128x128xf32, #tpu.memory_space<vmem>>
        tpu.wait_dma2 semaphore(%arg8 : memref<!tpu.dma_semaphore, #tpu.memory_space<semaphore_mem>>) src(%dma_wait3A_275 : memref<128x128xf32, #tpu.memory_space<vmem>>) dst(%dma_wait3A_272 : memref<128x128xf32, #tpu.memory_space<hbm>>)
      } else {
      }
      %add3A_121 = arith.constant 5 : i32
      %add3A_122 = arith.addi %add3A_115, %add3A_121 : i32
      %sub3A_123 = arith.constant 1 : i32
      %sub3A_124 = arith.subi %add3A_122, %sub3A_123 : i32
      %lt3A_125 = arith.constant 200 : i32
      %lt3A_126 = arith.cmpi slt, %sub3A_124, %lt3A_125 : i32
      %convert_element_type3A_127 = arith.extui %lt3A_126 : i1 to i32
      %cond3A_128 = arith.constant 0 : i32
      %cond3A_129 = arith.cmpi ne, %convert_element_type3A_127, %cond3A_128 : i32
      scf.if %cond3A_129 {
        %add3A_262 = arith.constant 5 : i32
        %add3A_263 = arith.addi %add3A_115, %add3A_262 : i32
        %sub3A_264 = arith.constant 1 : i32
        %sub3A_265 = arith.subi %add3A_263, %sub3A_264 : i32
        %dma_start3A_266 = arith.constant 0 : i32
        %dma_start3A_267 = arith.constant 0 : i32
        %dma_start3A_268 = tpu.memref_slice %arg6[%dma_start3A_266, %dma_start3A_267] : memref<640x128xf32, #tpu.memory_space<vmem>> -> memref<128x128xf32, #tpu.memory_space<vmem>>
        %dma_start3A_269 = arith.constant 0 : i32
        %dma_start3A_270 = tpu.memref_slice %arg5[%sub3A_265, %dma_start3A_269] : memref<200x128xi32, #tpu.memory_space<vmem>> -> memref<1x128xi32, #tpu.memory_space<vmem>>
        %dma_start3A_271 = tpu.memref_squeeze %dma_start3A_270 : memref<1x128xi32, #tpu.memory_space<vmem>> -> memref<128xi32, #tpu.memory_space<vmem>>
        %dma_start3A_272 = arith.constant 0 : i32
        %dma_start3A_273 = arith.constant 0 : i32
        %dma_start3A_274 = tpu.memref_slice %arg2[%dma_start3A_272, %dma_start3A_273] : memref<1000000x128xf32, #tpu.memory_space<hbm>> -> memref<1000000x128xf32, #tpu.memory_space<hbm>>
        tpu.enqueue_indirect_dma source(%dma_start3A_274 : memref<1000000x128xf32, #tpu.memory_space<hbm>>) target(%dma_start3A_268 : memref<128x128xf32, #tpu.memory_space<vmem>>) offsets(%dma_start3A_271 : memref<128xi32, #tpu.memory_space<vmem>>) semaphore(%arg7 : memref<!tpu.dma_semaphore, #tpu.memory_space<semaphore_mem>>)
      } else {
      }
      %dma_wait3A_130 = arith.constant 128 : i32
      %dma_wait3A_131 = arith.constant 0 : i32
      %dma_wait3A_132 = tpu.memref_slice %arg6[%dma_wait3A_130, %dma_wait3A_131] : memref<640x128xf32, #tpu.memory_space<vmem>> -> memref<128x128xf32, #tpu.memory_space<vmem>>
      %dma_wait3A_133 = arith.constant 0 : i32
      %dma_wait3A_134 = tpu.memref_slice %arg5[%add3A_115, %dma_wait3A_133] : memref<200x128xi32, #tpu.memory_space<vmem>> -> memref<1x128xi32, #tpu.memory_space<vmem>>
      %dma_wait3A_135 = tpu.memref_squeeze %dma_wait3A_134 : memref<1x128xi32, #tpu.memory_space<vmem>> -> memref<128xi32, #tpu.memory_space<vmem>>
      %dma_wait3A_136 = arith.constant 0 : i32
      %dma_wait3A_137 = arith.constant 0 : i32
      %dma_wait3A_138 = tpu.memref_slice %arg2[%dma_wait3A_136, %dma_wait3A_137] : memref<1000000x128xf32, #tpu.memory_space<hbm>> -> memref<1000000x128xf32, #tpu.memory_space<hbm>>
      tpu.wait_indirect_dma semaphore(%arg7 : memref<!tpu.dma_semaphore, #tpu.memory_space<semaphore_mem>>) src(%dma_wait3A_138 : memref<1000000x128xf32, #tpu.memory_space<hbm>>) dst(%dma_wait3A_132 : memref<128x128xf32, #tpu.memory_space<vmem>>)
      %dma_start3A_139 = arith.constant 128 : i32
      %dma_start3A_140 = arith.constant 0 : i32
      %dma_start3A_141 = tpu.memref_slice %arg6[%dma_start3A_139, %dma_start3A_140] : memref<640x128xf32, #tpu.memory_space<vmem>> -> memref<128x128xf32, #tpu.memory_space<vmem>>
      %dma_start3A_142 = arith.constant 0 : i32
      %dma_start3A_143 = tpu.memref_slice %arg4[%mul3A_9, %add3A_115, %dma_start3A_142] : memref<4096x200x128xf32, #tpu.memory_space<hbm>> -> memref<128x1x128xf32, #tpu.memory_space<hbm>>
      %dma_start3A_144 = tpu.memref_squeeze %dma_start3A_143 : memref<128x1x128xf32, #tpu.memory_space<hbm>> -> memref<128x128xf32, #tpu.memory_space<hbm>>
      %dma_start3A_145 = arith.constant 0 : i32
      %dma_start3A_146 = tpu.memref_slice %arg4[%mul3A_9, %add3A_115, %dma_start3A_145] : memref<4096x200x128xf32, #tpu.memory_space<hbm>> -> memref<128x1x128xf32, #tpu.memory_space<hbm>>
      %dma_start3A_147 = tpu.memref_squeeze %dma_start3A_146 : memref<128x1x128xf32, #tpu.memory_space<hbm>> -> memref<128x128xf32, #tpu.memory_space<hbm>>
      %dma_start3A_148 = arith.constant 128 : i32
      %dma_start3A_149 = arith.constant 0 : i32
      %dma_start3A_150 = tpu.memref_slice %arg6[%dma_start3A_148, %dma_start3A_149] : memref<640x128xf32, #tpu.memory_space<vmem>> -> memref<128x128xf32, #tpu.memory_space<vmem>>
      tpu.enqueue_dma source(%dma_start3A_150 : memref<128x128xf32, #tpu.memory_space<vmem>>) target(%dma_start3A_147 : memref<128x128xf32, #tpu.memory_space<hbm>>) target_semaphore(%arg8 : memref<!tpu.dma_semaphore, #tpu.memory_space<semaphore_mem>>)
      %add3A_151 = arith.constant 2 : i32
      %add3A_152 = arith.addi %mul3A_81, %add3A_151 : i32
      %ge3A_153 = arith.constant 1 : i32
      %ge3A_154 = arith.cmpi sge, %add3A_152, %ge3A_153 : i32
      %convert_element_type3A_155 = arith.extui %ge3A_154 : i1 to i32
      %cond3A_156 = arith.constant 0 : i32
      %cond3A_157 = arith.cmpi ne, %convert_element_type3A_155, %cond3A_156 : i32
      scf.if %cond3A_157 {
        %sub3A_262 = arith.constant 1 : i32
        %sub3A_263 = arith.subi %add3A_152, %sub3A_262 : i32
        %dma_wait3A_264 = arith.constant 128 : i32
        %dma_wait3A_265 = arith.constant 0 : i32
        %dma_wait3A_266 = tpu.memref_slice %arg6[%dma_wait3A_264, %dma_wait3A_265] : memref<640x128xf32, #tpu.memory_space<vmem>> -> memref<128x128xf32, #tpu.memory_space<vmem>>
        %dma_wait3A_267 = arith.constant 0 : i32
        %dma_wait3A_268 = tpu.memref_slice %arg4[%mul3A_9, %sub3A_263, %dma_wait3A_267] : memref<4096x200x128xf32, #tpu.memory_space<hbm>> -> memref<128x1x128xf32, #tpu.memory_space<hbm>>
        %dma_wait3A_269 = tpu.memref_squeeze %dma_wait3A_268 : memref<128x1x128xf32, #tpu.memory_space<hbm>> -> memref<128x128xf32, #tpu.memory_space<hbm>>
        %dma_wait3A_270 = arith.constant 0 : i32
        %dma_wait3A_271 = tpu.memref_slice %arg4[%mul3A_9, %sub3A_263, %dma_wait3A_270] : memref<4096x200x128xf32, #tpu.memory_space<hbm>> -> memref<128x1x128xf32, #tpu.memory_space<hbm>>
        %dma_wait3A_272 = tpu.memref_squeeze %dma_wait3A_271 : memref<128x1x128xf32, #tpu.memory_space<hbm>> -> memref<128x128xf32, #tpu.memory_space<hbm>>
        %dma_wait3A_273 = arith.constant 128 : i32
        %dma_wait3A_274 = arith.constant 0 : i32
        %dma_wait3A_275 = tpu.memref_slice %arg6[%dma_wait3A_273, %dma_wait3A_274] : memref<640x128xf32, #tpu.memory_space<vmem>> -> memref<128x128xf32, #tpu.memory_space<vmem>>
        tpu.wait_dma2 semaphore(%arg8 : memref<!tpu.dma_semaphore, #tpu.memory_space<semaphore_mem>>) src(%dma_wait3A_275 : memref<128x128xf32, #tpu.memory_space<vmem>>) dst(%dma_wait3A_272 : memref<128x128xf32, #tpu.memory_space<hbm>>)
      } else {
      }
      %add3A_158 = arith.constant 5 : i32
      %add3A_159 = arith.addi %add3A_152, %add3A_158 : i32
      %sub3A_160 = arith.constant 1 : i32
      %sub3A_161 = arith.subi %add3A_159, %sub3A_160 : i32
      %lt3A_162 = arith.constant 200 : i32
      %lt3A_163 = arith.cmpi slt, %sub3A_161, %lt3A_162 : i32
      %convert_element_type3A_164 = arith.extui %lt3A_163 : i1 to i32
      %cond3A_165 = arith.constant 0 : i32
      %cond3A_166 = arith.cmpi ne, %convert_element_type3A_164, %cond3A_165 : i32
      scf.if %cond3A_166 {
        %add3A_262 = arith.constant 5 : i32
        %add3A_263 = arith.addi %add3A_152, %add3A_262 : i32
        %sub3A_264 = arith.constant 1 : i32
        %sub3A_265 = arith.subi %add3A_263, %sub3A_264 : i32
        %dma_start3A_266 = arith.constant 128 : i32
        %dma_start3A_267 = arith.constant 0 : i32
        %dma_start3A_268 = tpu.memref_slice %arg6[%dma_start3A_266, %dma_start3A_267] : memref<640x128xf32, #tpu.memory_space<vmem>> -> memref<128x128xf32, #tpu.memory_space<vmem>>
        %dma_start3A_269 = arith.constant 0 : i32
        %dma_start3A_270 = tpu.memref_slice %arg5[%sub3A_265, %dma_start3A_269] : memref<200x128xi32, #tpu.memory_space<vmem>> -> memref<1x128xi32, #tpu.memory_space<vmem>>
        %dma_start3A_271 = tpu.memref_squeeze %dma_start3A_270 : memref<1x128xi32, #tpu.memory_space<vmem>> -> memref<128xi32, #tpu.memory_space<vmem>>
        %dma_start3A_272 = arith.constant 0 : i32
        %dma_start3A_273 = arith.constant 0 : i32
        %dma_start3A_274 = tpu.memref_slice %arg2[%dma_start3A_272, %dma_start3A_273] : memref<1000000x128xf32, #tpu.memory_space<hbm>> -> memref<1000000x128xf32, #tpu.memory_space<hbm>>
        tpu.enqueue_indirect_dma source(%dma_start3A_274 : memref<1000000x128xf32, #tpu.memory_space<hbm>>) target(%dma_start3A_268 : memref<128x128xf32, #tpu.memory_space<vmem>>) offsets(%dma_start3A_271 : memref<128xi32, #tpu.memory_space<vmem>>) semaphore(%arg7 : memref<!tpu.dma_semaphore, #tpu.memory_space<semaphore_mem>>)
      } else {
      }
      %dma_wait3A_167 = arith.constant 256 : i32
      %dma_wait3A_168 = arith.constant 0 : i32
      %dma_wait3A_169 = tpu.memref_slice %arg6[%dma_wait3A_167, %dma_wait3A_168] : memref<640x128xf32, #tpu.memory_space<vmem>> -> memref<128x128xf32, #tpu.memory_space<vmem>>
      %dma_wait3A_170 = arith.constant 0 : i32
      %dma_wait3A_171 = tpu.memref_slice %arg5[%add3A_152, %dma_wait3A_170] : memref<200x128xi32, #tpu.memory_space<vmem>> -> memref<1x128xi32, #tpu.memory_space<vmem>>
      %dma_wait3A_172 = tpu.memref_squeeze %dma_wait3A_171 : memref<1x128xi32, #tpu.memory_space<vmem>> -> memref<128xi32, #tpu.memory_space<vmem>>
      %dma_wait3A_173 = arith.constant 0 : i32
      %dma_wait3A_174 = arith.constant 0 : i32
      %dma_wait3A_175 = tpu.memref_slice %arg2[%dma_wait3A_173, %dma_wait3A_174] : memref<1000000x128xf32, #tpu.memory_space<hbm>> -> memref<1000000x128xf32, #tpu.memory_space<hbm>>
      tpu.wait_indirect_dma semaphore(%arg7 : memref<!tpu.dma_semaphore, #tpu.memory_space<semaphore_mem>>) src(%dma_wait3A_175 : memref<1000000x128xf32, #tpu.memory_space<hbm>>) dst(%dma_wait3A_169 : memref<128x128xf32, #tpu.memory_space<vmem>>)
      %dma_start3A_176 = arith.constant 256 : i32
      %dma_start3A_177 = arith.constant 0 : i32
      %dma_start3A_178 = tpu.memref_slice %arg6[%dma_start3A_176, %dma_start3A_177] : memref<640x128xf32, #tpu.memory_space<vmem>> -> memref<128x128xf32, #tpu.memory_space<vmem>>
      %dma_start3A_179 = arith.constant 0 : i32
      %dma_start3A_180 = tpu.memref_slice %arg4[%mul3A_9, %add3A_152, %dma_start3A_179] : memref<4096x200x128xf32, #tpu.memory_space<hbm>> -> memref<128x1x128xf32, #tpu.memory_space<hbm>>
      %dma_start3A_181 = tpu.memref_squeeze %dma_start3A_180 : memref<128x1x128xf32, #tpu.memory_space<hbm>> -> memref<128x128xf32, #tpu.memory_space<hbm>>
      %dma_start3A_182 = arith.constant 0 : i32
      %dma_start3A_183 = tpu.memref_slice %arg4[%mul3A_9, %add3A_152, %dma_start3A_182] : memref<4096x200x128xf32, #tpu.memory_space<hbm>> -> memref<128x1x128xf32, #tpu.memory_space<hbm>>
      %dma_start3A_184 = tpu.memref_squeeze %dma_start3A_183 : memref<128x1x128xf32, #tpu.memory_space<hbm>> -> memref<128x128xf32, #tpu.memory_space<hbm>>
      %dma_start3A_185 = arith.constant 256 : i32
      %dma_start3A_186 = arith.constant 0 : i32
      %dma_start3A_187 = tpu.memref_slice %arg6[%dma_start3A_185, %dma_start3A_186] : memref<640x128xf32, #tpu.memory_space<vmem>> -> memref<128x128xf32, #tpu.memory_space<vmem>>
      tpu.enqueue_dma source(%dma_start3A_187 : memref<128x128xf32, #tpu.memory_space<vmem>>) target(%dma_start3A_184 : memref<128x128xf32, #tpu.memory_space<hbm>>) target_semaphore(%arg8 : memref<!tpu.dma_semaphore, #tpu.memory_space<semaphore_mem>>)
      %add3A_188 = arith.constant 3 : i32
      %add3A_189 = arith.addi %mul3A_81, %add3A_188 : i32
      %ge3A_190 = arith.constant 1 : i32
      %ge3A_191 = arith.cmpi sge, %add3A_189, %ge3A_190 : i32
      %convert_element_type3A_192 = arith.extui %ge3A_191 : i1 to i32
      %cond3A_193 = arith.constant 0 : i32
      %cond3A_194 = arith.cmpi ne, %convert_element_type3A_192, %cond3A_193 : i32
      scf.if %cond3A_194 {
        %sub3A_262 = arith.constant 1 : i32
        %sub3A_263 = arith.subi %add3A_189, %sub3A_262 : i32
        %dma_wait3A_264 = arith.constant 256 : i32
        %dma_wait3A_265 = arith.constant 0 : i32
        %dma_wait3A_266 = tpu.memref_slice %arg6[%dma_wait3A_264, %dma_wait3A_265] : memref<640x128xf32, #tpu.memory_space<vmem>> -> memref<128x128xf32, #tpu.memory_space<vmem>>
        %dma_wait3A_267 = arith.constant 0 : i32
        %dma_wait3A_268 = tpu.memref_slice %arg4[%mul3A_9, %sub3A_263, %dma_wait3A_267] : memref<4096x200x128xf32, #tpu.memory_space<hbm>> -> memref<128x1x128xf32, #tpu.memory_space<hbm>>
        %dma_wait3A_269 = tpu.memref_squeeze %dma_wait3A_268 : memref<128x1x128xf32, #tpu.memory_space<hbm>> -> memref<128x128xf32, #tpu.memory_space<hbm>>
        %dma_wait3A_270 = arith.constant 0 : i32
        %dma_wait3A_271 = tpu.memref_slice %arg4[%mul3A_9, %sub3A_263, %dma_wait3A_270] : memref<4096x200x128xf32, #tpu.memory_space<hbm>> -> memref<128x1x128xf32, #tpu.memory_space<hbm>>
        %dma_wait3A_272 = tpu.memref_squeeze %dma_wait3A_271 : memref<128x1x128xf32, #tpu.memory_space<hbm>> -> memref<128x128xf32, #tpu.memory_space<hbm>>
        %dma_wait3A_273 = arith.constant 256 : i32
        %dma_wait3A_274 = arith.constant 0 : i32
        %dma_wait3A_275 = tpu.memref_slice %arg6[%dma_wait3A_273, %dma_wait3A_274] : memref<640x128xf32, #tpu.memory_space<vmem>> -> memref<128x128xf32, #tpu.memory_space<vmem>>
        tpu.wait_dma2 semaphore(%arg8 : memref<!tpu.dma_semaphore, #tpu.memory_space<semaphore_mem>>) src(%dma_wait3A_275 : memref<128x128xf32, #tpu.memory_space<vmem>>) dst(%dma_wait3A_272 : memref<128x128xf32, #tpu.memory_space<hbm>>)
      } else {
      }
      %add3A_195 = arith.constant 5 : i32
      %add3A_196 = arith.addi %add3A_189, %add3A_195 : i32
      %sub3A_197 = arith.constant 1 : i32
      %sub3A_198 = arith.subi %add3A_196, %sub3A_197 : i32
      %lt3A_199 = arith.constant 200 : i32
      %lt3A_200 = arith.cmpi slt, %sub3A_198, %lt3A_199 : i32
      %convert_element_type3A_201 = arith.extui %lt3A_200 : i1 to i32
      %cond3A_202 = arith.constant 0 : i32
      %cond3A_203 = arith.cmpi ne, %convert_element_type3A_201, %cond3A_202 : i32
      scf.if %cond3A_203 {
        %add3A_262 = arith.constant 5 : i32
        %add3A_263 = arith.addi %add3A_189, %add3A_262 : i32
        %sub3A_264 = arith.constant 1 : i32
        %sub3A_265 = arith.subi %add3A_263, %sub3A_264 : i32
        %dma_start3A_266 = arith.constant 256 : i32
        %dma_start3A_267 = arith.constant 0 : i32
        %dma_start3A_268 = tpu.memref_slice %arg6[%dma_start3A_266, %dma_start3A_267] : memref<640x128xf32, #tpu.memory_space<vmem>> -> memref<128x128xf32, #tpu.memory_space<vmem>>
        %dma_start3A_269 = arith.constant 0 : i32
        %dma_start3A_270 = tpu.memref_slice %arg5[%sub3A_265, %dma_start3A_269] : memref<200x128xi32, #tpu.memory_space<vmem>> -> memref<1x128xi32, #tpu.memory_space<vmem>>
        %dma_start3A_271 = tpu.memref_squeeze %dma_start3A_270 : memref<1x128xi32, #tpu.memory_space<vmem>> -> memref<128xi32, #tpu.memory_space<vmem>>
        %dma_start3A_272 = arith.constant 0 : i32
        %dma_start3A_273 = arith.constant 0 : i32
        %dma_start3A_274 = tpu.memref_slice %arg2[%dma_start3A_272, %dma_start3A_273] : memref<1000000x128xf32, #tpu.memory_space<hbm>> -> memref<1000000x128xf32, #tpu.memory_space<hbm>>
        tpu.enqueue_indirect_dma source(%dma_start3A_274 : memref<1000000x128xf32, #tpu.memory_space<hbm>>) target(%dma_start3A_268 : memref<128x128xf32, #tpu.memory_space<vmem>>) offsets(%dma_start3A_271 : memref<128xi32, #tpu.memory_space<vmem>>) semaphore(%arg7 : memref<!tpu.dma_semaphore, #tpu.memory_space<semaphore_mem>>)
      } else {
      }
      %dma_wait3A_204 = arith.constant 384 : i32
      %dma_wait3A_205 = arith.constant 0 : i32
      %dma_wait3A_206 = tpu.memref_slice %arg6[%dma_wait3A_204, %dma_wait3A_205] : memref<640x128xf32, #tpu.memory_space<vmem>> -> memref<128x128xf32, #tpu.memory_space<vmem>>
      %dma_wait3A_207 = arith.constant 0 : i32
      %dma_wait3A_208 = tpu.memref_slice %arg5[%add3A_189, %dma_wait3A_207] : memref<200x128xi32, #tpu.memory_space<vmem>> -> memref<1x128xi32, #tpu.memory_space<vmem>>
      %dma_wait3A_209 = tpu.memref_squeeze %dma_wait3A_208 : memref<1x128xi32, #tpu.memory_space<vmem>> -> memref<128xi32, #tpu.memory_space<vmem>>
      %dma_wait3A_210 = arith.constant 0 : i32
      %dma_wait3A_211 = arith.constant 0 : i32
      %dma_wait3A_212 = tpu.memref_slice %arg2[%dma_wait3A_210, %dma_wait3A_211] : memref<1000000x128xf32, #tpu.memory_space<hbm>> -> memref<1000000x128xf32, #tpu.memory_space<hbm>>
      tpu.wait_indirect_dma semaphore(%arg7 : memref<!tpu.dma_semaphore, #tpu.memory_space<semaphore_mem>>) src(%dma_wait3A_212 : memref<1000000x128xf32, #tpu.memory_space<hbm>>) dst(%dma_wait3A_206 : memref<128x128xf32, #tpu.memory_space<vmem>>)
      %dma_start3A_213 = arith.constant 384 : i32
      %dma_start3A_214 = arith.constant 0 : i32
      %dma_start3A_215 = tpu.memref_slice %arg6[%dma_start3A_213, %dma_start3A_214] : memref<640x128xf32, #tpu.memory_space<vmem>> -> memref<128x128xf32, #tpu.memory_space<vmem>>
      %dma_start3A_216 = arith.constant 0 : i32
      %dma_start3A_217 = tpu.memref_slice %arg4[%mul3A_9, %add3A_189, %dma_start3A_216] : memref<4096x200x128xf32, #tpu.memory_space<hbm>> -> memref<128x1x128xf32, #tpu.memory_space<hbm>>
      %dma_start3A_218 = tpu.memref_squeeze %dma_start3A_217 : memref<128x1x128xf32, #tpu.memory_space<hbm>> -> memref<128x128xf32, #tpu.memory_space<hbm>>
      %dma_start3A_219 = arith.constant 0 : i32
      %dma_start3A_220 = tpu.memref_slice %arg4[%mul3A_9, %add3A_189, %dma_start3A_219] : memref<4096x200x128xf32, #tpu.memory_space<hbm>> -> memref<128x1x128xf32, #tpu.memory_space<hbm>>
      %dma_start3A_221 = tpu.memref_squeeze %dma_start3A_220 : memref<128x1x128xf32, #tpu.memory_space<hbm>> -> memref<128x128xf32, #tpu.memory_space<hbm>>
      %dma_start3A_222 = arith.constant 384 : i32
      %dma_start3A_223 = arith.constant 0 : i32
      %dma_start3A_224 = tpu.memref_slice %arg6[%dma_start3A_222, %dma_start3A_223] : memref<640x128xf32, #tpu.memory_space<vmem>> -> memref<128x128xf32, #tpu.memory_space<vmem>>
      tpu.enqueue_dma source(%dma_start3A_224 : memref<128x128xf32, #tpu.memory_space<vmem>>) target(%dma_start3A_221 : memref<128x128xf32, #tpu.memory_space<hbm>>) target_semaphore(%arg8 : memref<!tpu.dma_semaphore, #tpu.memory_space<semaphore_mem>>)
      %add3A_225 = arith.constant 4 : i32
      %add3A_226 = arith.addi %mul3A_81, %add3A_225 : i32
      %ge3A_227 = arith.constant 1 : i32
      %ge3A_228 = arith.cmpi sge, %add3A_226, %ge3A_227 : i32
      %convert_element_type3A_229 = arith.extui %ge3A_228 : i1 to i32
      %cond3A_230 = arith.constant 0 : i32
      %cond3A_231 = arith.cmpi ne, %convert_element_type3A_229, %cond3A_230 : i32
      scf.if %cond3A_231 {
        %sub3A_262 = arith.constant 1 : i32
        %sub3A_263 = arith.subi %add3A_226, %sub3A_262 : i32
        %dma_wait3A_264 = arith.constant 384 : i32
        %dma_wait3A_265 = arith.constant 0 : i32
        %dma_wait3A_266 = tpu.memref_slice %arg6[%dma_wait3A_264, %dma_wait3A_265] : memref<640x128xf32, #tpu.memory_space<vmem>> -> memref<128x128xf32, #tpu.memory_space<vmem>>
        %dma_wait3A_267 = arith.constant 0 : i32
        %dma_wait3A_268 = tpu.memref_slice %arg4[%mul3A_9, %sub3A_263, %dma_wait3A_267] : memref<4096x200x128xf32, #tpu.memory_space<hbm>> -> memref<128x1x128xf32, #tpu.memory_space<hbm>>
        %dma_wait3A_269 = tpu.memref_squeeze %dma_wait3A_268 : memref<128x1x128xf32, #tpu.memory_space<hbm>> -> memref<128x128xf32, #tpu.memory_space<hbm>>
        %dma_wait3A_270 = arith.constant 0 : i32
        %dma_wait3A_271 = tpu.memref_slice %arg4[%mul3A_9, %sub3A_263, %dma_wait3A_270] : memref<4096x200x128xf32, #tpu.memory_space<hbm>> -> memref<128x1x128xf32, #tpu.memory_space<hbm>>
        %dma_wait3A_272 = tpu.memref_squeeze %dma_wait3A_271 : memref<128x1x128xf32, #tpu.memory_space<hbm>> -> memref<128x128xf32, #tpu.memory_space<hbm>>
        %dma_wait3A_273 = arith.constant 384 : i32
        %dma_wait3A_274 = arith.constant 0 : i32
        %dma_wait3A_275 = tpu.memref_slice %arg6[%dma_wait3A_273, %dma_wait3A_274] : memref<640x128xf32, #tpu.memory_space<vmem>> -> memref<128x128xf32, #tpu.memory_space<vmem>>
        tpu.wait_dma2 semaphore(%arg8 : memref<!tpu.dma_semaphore, #tpu.memory_space<semaphore_mem>>) src(%dma_wait3A_275 : memref<128x128xf32, #tpu.memory_space<vmem>>) dst(%dma_wait3A_272 : memref<128x128xf32, #tpu.memory_space<hbm>>)
      } else {
      }
      %add3A_232 = arith.constant 5 : i32
      %add3A_233 = arith.addi %add3A_226, %add3A_232 : i32
      %sub3A_234 = arith.constant 1 : i32
      %sub3A_235 = arith.subi %add3A_233, %sub3A_234 : i32
      %lt3A_236 = arith.constant 200 : i32
      %lt3A_237 = arith.cmpi slt, %sub3A_235, %lt3A_236 : i32
      %convert_element_type3A_238 = arith.extui %lt3A_237 : i1 to i32
      %cond3A_239 = arith.constant 0 : i32
      %cond3A_240 = arith.cmpi ne, %convert_element_type3A_238, %cond3A_239 : i32
      scf.if %cond3A_240 {
        %add3A_262 = arith.constant 5 : i32
        %add3A_263 = arith.addi %add3A_226, %add3A_262 : i32
        %sub3A_264 = arith.constant 1 : i32
        %sub3A_265 = arith.subi %add3A_263, %sub3A_264 : i32
        %dma_start3A_266 = arith.constant 384 : i32
        %dma_start3A_267 = arith.constant 0 : i32
        %dma_start3A_268 = tpu.memref_slice %arg6[%dma_start3A_266, %dma_start3A_267] : memref<640x128xf32, #tpu.memory_space<vmem>> -> memref<128x128xf32, #tpu.memory_space<vmem>>
        %dma_start3A_269 = arith.constant 0 : i32
        %dma_start3A_270 = tpu.memref_slice %arg5[%sub3A_265, %dma_start3A_269] : memref<200x128xi32, #tpu.memory_space<vmem>> -> memref<1x128xi32, #tpu.memory_space<vmem>>
        %dma_start3A_271 = tpu.memref_squeeze %dma_start3A_270 : memref<1x128xi32, #tpu.memory_space<vmem>> -> memref<128xi32, #tpu.memory_space<vmem>>
        %dma_start3A_272 = arith.constant 0 : i32
        %dma_start3A_273 = arith.constant 0 : i32
        %dma_start3A_274 = tpu.memref_slice %arg2[%dma_start3A_272, %dma_start3A_273] : memref<1000000x128xf32, #tpu.memory_space<hbm>> -> memref<1000000x128xf32, #tpu.memory_space<hbm>>
        tpu.enqueue_indirect_dma source(%dma_start3A_274 : memref<1000000x128xf32, #tpu.memory_space<hbm>>) target(%dma_start3A_268 : memref<128x128xf32, #tpu.memory_space<vmem>>) offsets(%dma_start3A_271 : memref<128xi32, #tpu.memory_space<vmem>>) semaphore(%arg7 : memref<!tpu.dma_semaphore, #tpu.memory_space<semaphore_mem>>)
      } else {
      }
      %dma_wait3A_241 = arith.constant 512 : i32
      %dma_wait3A_242 = arith.constant 0 : i32
      %dma_wait3A_243 = tpu.memref_slice %arg6[%dma_wait3A_241, %dma_wait3A_242] : memref<640x128xf32, #tpu.memory_space<vmem>> -> memref<128x128xf32, #tpu.memory_space<vmem>>
      %dma_wait3A_244 = arith.constant 0 : i32
      %dma_wait3A_245 = tpu.memref_slice %arg5[%add3A_226, %dma_wait3A_244] : memref<200x128xi32, #tpu.memory_space<vmem>> -> memref<1x128xi32, #tpu.memory_space<vmem>>
      %dma_wait3A_246 = tpu.memref_squeeze %dma_wait3A_245 : memref<1x128xi32, #tpu.memory_space<vmem>> -> memref<128xi32, #tpu.memory_space<vmem>>
      %dma_wait3A_247 = arith.constant 0 : i32
      %dma_wait3A_248 = arith.constant 0 : i32
      %dma_wait3A_249 = tpu.memref_slice %arg2[%dma_wait3A_247, %dma_wait3A_248] : memref<1000000x128xf32, #tpu.memory_space<hbm>> -> memref<1000000x128xf32, #tpu.memory_space<hbm>>
      tpu.wait_indirect_dma semaphore(%arg7 : memref<!tpu.dma_semaphore, #tpu.memory_space<semaphore_mem>>) src(%dma_wait3A_249 : memref<1000000x128xf32, #tpu.memory_space<hbm>>) dst(%dma_wait3A_243 : memref<128x128xf32, #tpu.memory_space<vmem>>)
      %dma_start3A_250 = arith.constant 512 : i32
      %dma_start3A_251 = arith.constant 0 : i32
      %dma_start3A_252 = tpu.memref_slice %arg6[%dma_start3A_250, %dma_start3A_251] : memref<640x128xf32, #tpu.memory_space<vmem>> -> memref<128x128xf32, #tpu.memory_space<vmem>>
      %dma_start3A_253 = arith.constant 0 : i32
      %dma_start3A_254 = tpu.memref_slice %arg4[%mul3A_9, %add3A_226, %dma_start3A_253] : memref<4096x200x128xf32, #tpu.memory_space<hbm>> -> memref<128x1x128xf32, #tpu.memory_space<hbm>>
      %dma_start3A_255 = tpu.memref_squeeze %dma_start3A_254 : memref<128x1x128xf32, #tpu.memory_space<hbm>> -> memref<128x128xf32, #tpu.memory_space<hbm>>
      %dma_start3A_256 = arith.constant 0 : i32
      %dma_start3A_257 = tpu.memref_slice %arg4[%mul3A_9, %add3A_226, %dma_start3A_256] : memref<4096x200x128xf32, #tpu.memory_space<hbm>> -> memref<128x1x128xf32, #tpu.memory_space<hbm>>
      %dma_start3A_258 = tpu.memref_squeeze %dma_start3A_257 : memref<128x1x128xf32, #tpu.memory_space<hbm>> -> memref<128x128xf32, #tpu.memory_space<hbm>>
      %dma_start3A_259 = arith.constant 512 : i32
      %dma_start3A_260 = arith.constant 0 : i32
      %dma_start3A_261 = tpu.memref_slice %arg6[%dma_start3A_259, %dma_start3A_260] : memref<640x128xf32, #tpu.memory_space<vmem>> -> memref<128x128xf32, #tpu.memory_space<vmem>>
      tpu.enqueue_dma source(%dma_start3A_261 : memref<128x128xf32, #tpu.memory_space<vmem>>) target(%dma_start3A_258 : memref<128x128xf32, #tpu.memory_space<hbm>>) target_semaphore(%arg8 : memref<!tpu.dma_semaphore, #tpu.memory_space<semaphore_mem>>)
    }
    %scan3A_60 = arith.constant 40 : i32
    %dma_wait3A_61 = arith.constant 199 : i32
    %dma_wait3A_62 = arith.constant 512 : i32
    %dma_wait3A_63 = arith.constant 0 : i32
    %dma_wait3A_64 = tpu.memref_slice %arg6[%dma_wait3A_62, %dma_wait3A_63] : memref<640x128xf32, #tpu.memory_space<vmem>> -> memref<128x128xf32, #tpu.memory_space<vmem>>
    %dma_wait3A_65 = arith.constant 0 : i32
    %dma_wait3A_66 = tpu.memref_slice %arg4[%mul3A_9, %dma_wait3A_61, %dma_wait3A_65] : memref<4096x200x128xf32, #tpu.memory_space<hbm>> -> memref<128x1x128xf32, #tpu.memory_space<hbm>>
    %dma_wait3A_67 = tpu.memref_squeeze %dma_wait3A_66 : memref<128x1x128xf32, #tpu.memory_space<hbm>> -> memref<128x128xf32, #tpu.memory_space<hbm>>
    %dma_wait3A_68 = arith.constant 0 : i32
    %dma_wait3A_69 = tpu.memref_slice %arg4[%mul3A_9, %dma_wait3A_61, %dma_wait3A_68] : memref<4096x200x128xf32, #tpu.memory_space<hbm>> -> memref<128x1x128xf32, #tpu.memory_space<hbm>>
    %dma_wait3A_70 = tpu.memref_squeeze %dma_wait3A_69 : memref<128x1x128xf32, #tpu.memory_space<hbm>> -> memref<128x128xf32, #tpu.memory_space<hbm>>
    %dma_wait3A_71 = arith.constant 512 : i32
    %dma_wait3A_72 = arith.constant 0 : i32
    %dma_wait3A_73 = tpu.memref_slice %arg6[%dma_wait3A_71, %dma_wait3A_72] : memref<640x128xf32, #tpu.memory_space<vmem>> -> memref<128x128xf32, #tpu.memory_space<vmem>>
    tpu.wait_dma2 semaphore(%arg8 : memref<!tpu.dma_semaphore, #tpu.memory_space<semaphore_mem>>) src(%dma_wait3A_73 : memref<128x128xf32, #tpu.memory_space<vmem>>) dst(%dma_wait3A_70 : memref<128x128xf32, #tpu.memory_space<hbm>>)
    %scan3A_74 = arith.constant 1 : i32
    return
  }
}

</mosaic_0001>

<sc_bundles>
// kernel: kernel.3.cloned.1.call-start
scs
__scs_entry_jumppad:
0x0: {  	(pc) =	sbr.rel $0x88, $3  }
0x1: {  	(tag) =	ssettag $0x0;
	lr =	simm.s32 $0x1  }
0x2: {  	[smem:$0x3F9F] =	sst lr;
	_ =	strace $0xD0000000  }
0x3: {  	_ = 	snop  }
0x4: {  	_ = 	snop  }
0x5: {  	_ = 	snop  }
0x6: {  	_ = 	snop  }
0x7: {  	_ = 	snop  }
__scs_overlays_trampoline_lowered:
0x8: {  	[smem:$0x3FAE] =	sst s0  }
0x9: {  	[smem:$0x3FAF] =	sst s1  }
0xa: {  	[smem:$0x3FB0] =	sst s2  }
0xb: {  	[smem:$0x3FB1] =	sst s3  }
0xc: {  	[smem:$0x3FB2] =	sst s4  }
0xd: {  	[smem:$0x3FB3] =	sst s5  }
0xe: {  	[smem:$0x3FB4] =	sst s6  }
0xf: {  	[smem:$0x3FB5] =	sst s7  }
0x10: {  	[smem:$0x3FB6] =	sst s8  }
0x11: {  	[smem:$0x3FB7] =	sst s9;
	s0 =	simm.s32 @!p0 $0x0  }
0x12: {  	s1 =	sld [smem:$0x3F9D];
	s0 =	simm.s32 @p0 $0x1  }
0x13: {  	[smem:$0x3FB8] =	sst s0;
	s0 =	simm.s32 @!p1 $0x0  }
0x14: {  	s2 =	sld [smem:$0x3F9C];
	s0 =	simm.s32 @p1 $0x1  }
0x15: {  	[smem:$0x3FB9] =	sst s0;
	s0 =	simm.s32 @!p2 $0x0  }
0x16: {  	s3 =	sld [smem:$0x3FDB];
	s0 =	simm.s32 @p2 $0x1  }
0x17: {  	s4 =	simm.s32 $0x1BF5;
	[smem:$0x3FBB] =	sst s0  }
0x18: {  	s0 =	sld [smem:$0x3F9E];
	_ =	swait.ge [sflag:s4], $0x0  }
0x19: {  	s7 =	sld [smem:$0x3F9F]  }
0x1a: {  	s8 =	sadd.s32 $0xFFFFE003, lr  }
0x1b: {  	s9 =	sadd.s32 $0xFFFFFEF7, lr;
	s5 =	simm.s32 $0xFFFFFFFF;
	p2 =	slt.u32 s8, $0xFFFFF086  }
0x1c: {  	p1 =	slt.u32 s9, $0xF7A;
	s5 =	simm.s32 @!p2 $0x0  }
0x1d: {  	s5 =	simm.s32 @p1 $0x1;
	p0 =	seq.s32 s7, s2  }
0x1e: {  	s7 =	smul.u32 @!p0 $0xF7A, s2;
	p2 =	seq.s32 @!p0 s5, $0x0  }
0x1f: {  	s9 =	smul.u32 $0xF7A, s1;
	s8 =	simm.s32 @!p0 $0x1BF5;
	p2 =	por !p2, p0  }
0x20: {  	[sflag:s8] =	ssyncset.s32 @!p0 $0xFFFFF086;
	s6 =	sadd.s32 @!p0 s3, s7;
	s7 =	simm.s32 @!p0 $0x108  }
0x21: {  	s3 =	sadd.s32 s3, s9;
	s6 =	sadd.s32 @!p0 $0x88, s6;
	s7 =	simm.s32 @p2 $0x1082  }
0x22: {  	[simem:s7], [sflag:s8] =	dma.local @!p0 [hbm:s6], $0xF7A  }
0x23: {  	s9 =	sor.u32 $0xD0000000, s2;
	s6 =	simm.s32 $0x108;
	_ =	swait.ge @!p0 [sflag:s8], $0x0  }
0x24: {  	s3 =	sadd.s32 $0x88, s3;
	s6 =	simm.s32 @!p1 $0x1082;
	[sflag:s4] =	ssyncset.s32 $0xFFFFF086  }
0x25: {  	[simem:s6], [sflag:s4] =	dma.local [hbm:s3], $0xF7A  }
0x26: {  	[smem:$0x3F9F] =	sst s1;
	(tag) =	ssettag s2;
	_ =	strace s9  }
0x27: {  	s1 =	sld [smem:$0x3FAF]  }
0x28: {  	s2 =	sld [smem:$0x3FB0]  }
0x29: {  	s4 =	sld [smem:$0x3FB2]  }
0x2a: {  	p0 =	seq.s32 s5, $0x0;
	s5 =	sld [smem:$0x3FB3]  }
0x2b: {  	s6 =	sld [smem:$0x3FB4]  }
0x2c: {  	s7 =	sld [smem:$0x3FB5]  }
0x2d: {  	s3 =	simm.s32 $0x108;
	s8 =	sld [smem:$0x3FB6]  }
0x2e: {  	s3 =	simm.s32 @!p0 $0x1082;
	s9 =	sld [smem:$0x3FB7]  }
0x2f: {  	lr =	sadd.s32 s0, s3;
	s0 =	sld [smem:$0x3FAE]  }
0x30: {  	s3 =	sld [smem:$0x3FB1]  }
0x31: {  	[smem:$0x3FBA] =	sst s10  }
0x32: {  	s10 =	sld [smem:$0x3FB8];
	_ =	sdelay $0x3  }
0x33: {  	p0 =	seq.s32 s10, $0x1;
	s10 =	sld [smem:$0x3FBA];
	_ =	sdelay $0x3  }
0x34: {  	[smem:$0x3FBA] =	sst s10  }
0x35: {  	s10 =	sld [smem:$0x3FB9];
	_ =	sdelay $0x3  }
0x36: {  	p1 =	seq.s32 s10, $0x1;
	s10 =	sld [smem:$0x3FBA];
	_ =	sdelay $0x3  }
0x37: {  	[smem:$0x3FBA] =	sst s10  }
0x38: {  	s10 =	sld [smem:$0x3FBB]  }
0x39: {  	_ = 	snop;
	(pc) =	sbr.ind lr, $3  }
0x3a: {  	_ = 	snop  }
0x3b: {  	_ = 	snop  }
0x3c: {  	p2 =	seq.s32 s10, $0x1;
	s10 =	sld [smem:$0x3FBA]  }
0x3d: {  	_ =	shalt  }
0x3e: {  	_ =	shalt  }
0x3f: {  	_ =	shalt  }
0x40: {  	_ =	shalt  }
0x41: {  	_ =	shalt  }
0x42: {  	_ =	shalt  }
0x43: {  	_ =	shalt  }
0x44: {  	_ =	shalt  }
0x45: {  	_ =	shalt  }
0x46: {  	_ =	shalt  }
0x47: {  	_ =	shalt  }
0x48: {  	_ =	shalt  }
0x49: {  	_ =	shalt  }
0x4a: {  	_ =	shalt  }
0x4b: {  	_ =	shalt  }
0x4c: {  	_ =	shalt  }
0x4d: {  	_ =	shalt  }
0x4e: {  	_ =	shalt  }
0x4f: {  	_ =	shalt  }
0x50: {  	_ =	shalt  }
0x51: {  	_ =	shalt  }
0x52: {  	_ =	shalt  }
0x53: {  	_ =	shalt  }
0x54: {  	_ =	shalt  }
0x55: {  	_ =	shalt  }
0x56: {  	_ =	shalt  }
0x57: {  	_ =	shalt  }
0x58: {  	_ =	shalt  }
0x59: {  	_ =	shalt  }
0x5a: {  	_ =	shalt  }
0x5b: {  	_ =	shalt  }
0x5c: {  	_ =	shalt  }
0x5d: {  	_ =	shalt  }
0x5e: {  	_ =	shalt  }
0x5f: {  	_ =	shalt  }
0x60: {  	_ =	shalt  }
0x61: {  	_ =	shalt  }
0x62: {  	_ =	shalt  }
0x63: {  	_ =	shalt  }
0x64: {  	_ =	shalt  }
0x65: {  	_ =	shalt  }
0x66: {  	_ =	shalt  }
0x67: {  	_ =	shalt  }
0x68: {  	_ =	shalt  }
0x69: {  	_ =	shalt  }
0x6a: {  	_ =	shalt  }
0x6b: {  	_ =	shalt  }
0x6c: {  	_ =	shalt  }
0x6d: {  	_ =	shalt  }
0x6e: {  	_ =	shalt  }
0x6f: {  	_ =	shalt  }
0x70: {  	_ =	shalt  }
0x71: {  	_ =	shalt  }
0x72: {  	_ =	shalt  }
0x73: {  	_ =	shalt  }
0x74: {  	_ =	shalt  }
0x75: {  	_ =	shalt  }
0x76: {  	_ =	shalt  }
0x77: {  	_ =	shalt  }
0x78: {  	_ =	shalt  }
0x79: {  	_ =	shalt  }
0x7a: {  	_ =	shalt  }
0x7b: {  	_ =	shalt  }
0x7c: {  	_ =	shalt  }
0x7d: {  	_ =	shalt  }
0x7e: {  	_ =	shalt  }
0x7f: {  	_ =	shalt  }
0x80: {  	_ =	shalt  }
0x81: {  	_ =	shalt  }
0x82: {  	_ =	shalt  }
0x83: {  	_ =	shalt  }
0x84: {  	_ =	shalt  }
0x85: {  	_ =	shalt  }
0x86: {  	_ =	shalt  }
0x87: {  	_ =	shalt  }
.Lfunc_end0:
.L_simem_size_0:
called_computation.1_lowered:
.L_overlay_start_0:
0x88: {  	s2 =	sld [smem:$0x3FD9]  }
0x89: {  	s3 =	sld [smem:$0x3FFE];
	_ =	sdelay $0x1  }
0x8a: {  	s1 =	srdreg.scid  }
0x8b: {  	s0 =	sand.u32 $0x1, s1  }
0x8c: {  	s17 =	sshll.u32 s0, $0xA;
	s2 =	sadd.s32 s3, s2  }
0x8d: {  	s2 =	sadd.s32 s2, s17  }
0x8e: {  	[smem:$0x3FC6] =	sst s2  }
0x8f: {  	_ = 	snop  }
0x90: {  	s2 =	sld [smem:$0x3FC9];
	(tm) =	ssettm $0x1  }
0x91: {  	s18 =	sld [smem:$0x3FFB];
	_ =	sdelay $0x3  }
0x92: {  	_ =	strace s18  }
0x93: {  	s3 =	sld [smem:$0x3FFC];
	_ =	sdelay $0x3  }
0x94: {  	_ =	strace s3  }
0x95: {  	s3 =	sld [smem:$0x3FFD];
	_ =	sdelay $0x3  }
0x96: {  	_ =	strace s3  }
0x97: {  	_ =	strace $0x8FFFFFFF  }
0x98: {  	s19 =	sld [smem:$0x3FDB];
	_ =	sdelay $0x1  }
0x99: {  	s4 =	simm.s32 $_scs_section_size  }
0x9a: {  	s5 =	simm.s32 $_size__tile_overlayer_lowered;
	s6 =	simm.s32 $_tile_overlayer_lowered  }
0x9b: {  	s22 =	simm.s32 $0x1BFF;
	s21 =	sshll.u32 s6, $0x1;
	s3 =	sadd.s32 s4, s19  }
0x9c: {  	s7 =	simm.s32 $0x0;
	s20 =	sshll.u32 s5, $0x1;
	s5 =	sadd.s32 s21, s3  }
0x9d: {  	[timem:s7], [sflag:s22] =	dma.local [hbm:s5], s20  }
0x9e: {  	_ =	swait.ge [sflag:s22], s20  }
0x9f: {  	s4 =	ssub.s32 $0x0, s20;
	[sflag:s22] =	ssyncset.done $0x0  }
0xa0: {  	[sflag:s22] =	ssyncadd.s32 s4;
	_ =	sdelay $0x1  }
0xa1: {  	s23 =	simm.s32 $0x1B8B  }
0xa2: {  	_ =	swait.ge [sflag:s23], $0x1  }
0xa3: {  	[sflag:s23] =	ssyncset.done $0x0  }
0xa4: {  	s25 =	simm.s32 $0x1B8E;
	s24 =	sld [smem:$0x3FFE];
	[sflag:s23] =	ssyncadd.s32 $0xFFFFFFFF  }
0xa5: {  	s26 =	simm.s32 $execute0_lowered;
	[smem:$0x3FD2] =	sst s25  }
0xa6: {  	s5 =	sshll.u32 s26, $0x1;
	_ =	strace $0x80000046;
	[dreg:$0x1] =	wrdreg $0xFFFFFFFF  }
0xa7: {  	s28 =	simm.s32 $_size_execute0_lowered;
	s3 =	sadd.s32 s3, s5;
	[dreg:$0x0] =	wrdreg $0x0  }
0xa8: {  	s5 =	sshll.u32 s28, $0x1;
	[dreg:$0x2] =	wrdreg s3  }
0xa9: {  	[dreg:$0x3] =	wrdreg s5  }
0xaa: {  	[dreg:$0x4] =	wrdreg $0xC0  }
0xab: {  	_ =	task [dreg:s7], $0x5FFFF  }
0xac: {  	[dreg:$0x1] =	wrdreg $0xFFFFFFFF  }
0xad: {  	[dreg:$0x0] =	wrdreg $0x60  }
0xae: {  	[dreg:$0x2] =	wrdreg s24  }
0xaf: {  	[dreg:$0x3] =	wrdreg s2  }
0xb0: {  	[dreg:$0x4] =	wrdreg $0x9  }
0xb1: {  	_ =	task.clear_ibuf [dreg:s7], $0x5FFFF;
	_ =	strace $0x90000046  }
0xb2: {  	s29 =	simm.s32 $0x9;
	_ =	strace $0x80000048  }
0xb3: {  	_ =	swait.ge [sflag:s29], $0x1  }
0xb4: {  	[sflag:s29] =	ssyncadd.s32 $0xFFFFFFFF  }
0xb5: {  	_ =	strace $0x90000048  }
0xb6: {  	_ =	sfence  }
0xb7: {  	s30 =	sld [smem:$0x0];
	_ =	sdelay $0x2  }
0xb8: {  	s31 =	sshll.u32 s1, $0xD;
	s1 =	sshrl.u32 s1, $0x2  }
0xb9: {  	s3 =	sand.u32 $0x4000, s31;
	s1 =	sadd.s32 s1, s30  }
0xba: {  	s0 =	sor.u32 s3, s0;
	s1 =	sshll.u32 s1, $0x11  }
0xbb: {  	s0 =	sor.u32 s1, s0  }
0xbc: {  	s0 =	sadd.s32 $0x8F2B, s0  }
0xbd: {  	[sflag:s0] =	ssyncadd.remote.s32 $0x1  }
0xbe: {  	_ =	sfence.sel $0xFFFF  }
0xbf: {  	[dreg:$0x0] =	wrdreg $0xFFFFFFFF;
	(pc) =	sbr.abs _section_cstart, $3  }
0xc0: {  	[dreg:$0x1] =	wrdreg $0xFFFFFFFF  }
0xc1: {  	_ =	task.clear_ibuf [dreg:s7], $0x2FFFF;
	_ =	strace $0x9FFFFFFF  }
0xc2: {  	(tm) =	ssettm $0x7FFFFFFF  }
0xc3: {  	_ =	shalt  }
tec
execute0_lowered:
.L_overlay_start_1:
0x0: {  	(tag) =	ssettag $0x1  }
0x1: {  	s0 =	rddreg [dreg:$0x0]  }
0x2: {  	s1 =	rddreg [dreg:$0x1];
	s2 =	simm.s32 $0x0  }
0x3: {  	s4 =	srdreg.scid;
	s25 =	stileid.u32;
	s13 =	simm.s32 $0x3  }
0x4: {  	s14 =	simm.s32 $0x80;
	s15 =	simm.s32 $0x6400;
	s16 =	simm.s32 $0xA400  }
0x5: {  	s18 =	simm.s32 $0xE400;
	s20 =	simm.s32 $0x12400;
	s21 =	simm.s32 $0x16400  }
0x6: {  	s22 =	simm.s32 $0x1;
	s23 =	simm.s32 $0x2;
	s24 =	simm.s32 $0x0  }
0x7: {  	[smem:$0x7FF] =	sst s2;
	s3 =	sadd.s32 $0xF42C00, s0;
	s4 =	sand.u32 $0x1, s4  }
0x8: {  	s5 =	smul.u32 $0x640000, s25;
	s0 =	sadd.s32 $0x800, s0;
	s9 =	sshll.u32 s25, $0x8  }
0x9: {  	s6 =	ssub.s32 $0x2, s4;
	s7 =	smul.u32 $0x320000, s4;
	s4 =	sshll.u32 s4, $0x7  }
0xa: {  	_ =	strace $0x80000047;
	s8 =	sshrl.u32 s6, $0x1;
	s4 =	sor.u32 s4, s9  }
0xb: {  	s6 =	ssub.s32 s6, s8;
	s26 =	sadd.s32 s7, s5;
	s4 =	sadd.s32 s1, s4  }
0xc: {  	s28 =	sor.u32 $0x180, s26;
	s7 =	sor.u32 $0x100, s26;
	s5 =	smax.u32 s6, $0x1  }
0xd: {  	s29 =	sor.u32 $0x80, s26;
	s30 =	sshrl.u32 s26, $0x3;
	s10 =	sor.u32 $0x200, s26  }
0xe: {  	s1 =	sshrl.u32 s28, $0x3;
	s7 =	sshrl.u32 s7, $0x3;
	s9 =	sadd.s32 s30, s0  }
0xf: {  	s31 =	sshrl.u32 s10, $0x3;
	s6 =	sadd.s32 s1, s0;
	s1 =	sshrl.u32 s29, $0x3  }
0x10: {  	s7 =	sadd.s32 s7, s0;
	s8 =	sadd.s32 s1, s0;
	s1 =	sadd.s32 s31, s0  }
.LBB2_1:
0x11: {  	s0 =	simm.s32 $0x0;
	s2 =	simm.s32 $0x400;
	s10 =	simm.s32 $0x8000  }
0x12: {  	[tilespmem:s0], [sflag:$0x3] =	stream.strided.gather [hbm4b:s4+s2], $0x6400, s10, s2, $0x38;
	[tilespmem:$0x1A400] =	vst v63  }
0x13: {  	_ =	swait.ge [sflag:s13], $0x6400  }
0x14: {  	[sflag:s13] =	ssyncset.done $0x0  }
0x15: {  	[sflag:s13] =	ssyncadd.s32 $0xFFFF9C00  }
0x16: {  	[tilespmem:s15], [sflag:$0x1] =	stream.indirect.gather [hbm4b:s3+s14], $0x80, s0, s14, $0xb8;
	[tilespmem:$0x1A400] =	vst v63  }
0x17: {  	_ = 	snop  }
0x18: {  	[tilespmem:s16], [sflag:$0x1] =	stream.indirect.gather [hbm4b:s3+s14], $0x80, s14, s14, $0xb8;
	[tilespmem:$0x1A400] =	vst v63  }
0x19: {  	s19 =	simm.s32 $0x100;
	p0 =	por $0x1, $0x1  }
0x1a: {  	[tilespmem:s18], [sflag:$0x1] =	stream.indirect.gather [hbm4b:s3+s14], $0x80, s19, s14, $0xb8;
	[tilespmem:$0x1A400] =	vst v63  }
0x1b: {  	s25 =	simm.s32 $0x180;
	s0 =	simm.s32 @!p0 $0x2  }
0x1c: {  	[tilespmem:s20], [sflag:$0x1] =	stream.indirect.gather [hbm4b:s3+s14], $0x80, s25, s14, $0xb8;
	[tilespmem:$0x1A400] =	vst v63  }
0x1d: {  	_ =	swait.ge @!p0 [sflag:s0], $0x4000  }
0x1e: {  	[sflag:s0] =	ssyncset.done @!p0 $0x0  }
0x1f: {  	s26 =	simm.s32 $0x200;
	[sflag:s0] =	ssyncadd.s32 @!p0 $0xFFFFC000  }
0x20: {  	[tilespmem:s21], [sflag:$0x1] =	stream.indirect.gather [hbm4b:s3+s14], $0x80, s26, s14, $0xb8;
	[tilespmem:$0x1A400] =	vst v63  }
0x21: {  	_ =	swait.ge [sflag:s22], $0x4000  }
0x22: {  	[sflag:s22] =	ssyncset.done $0x0  }
0x23: {  	[sflag:s22] =	ssyncadd.s32 $0xFFFFC000  }
0x24: {  	[hbm4b:s9+s14] =	stream.strided.scatter [tilespmem:s15], [sflag:$0x2], $0x4000, s15, s14, $0x38;
	[tilespmem:$0x1A400] =	vst v63  }
0x25: {  	p0 =	por $0x0, $0x0;
	_ =	swait.ge [sflag:s23], $0x4000  }
0x26: {  	s0 =	simm.s32 @!p0 $0x6400;
	[sflag:s23] =	ssyncset.done $0x0  }
0x27: {  	s10 =	simm.s32 @!p0 $0x280;
	s26 =	simm.s32 @!p0 $0x80;
	[sflag:s23] =	ssyncadd.s32 $0xFFFFC000  }
0x28: {  	[tilespmem:s0], [sflag:$0x1] =	stream.indirect.gather @!p0 [hbm4b:s3+s26], $0x80, s10, s26, $0xb8;
	[tilespmem:$0x1A400] =	vst v63  }
0x29: {  	_ =	swait.ge [sflag:s22], $0x4000  }
0x2a: {  	[sflag:s22] =	ssyncset.done $0x0  }
0x2b: {  	[sflag:s22] =	ssyncadd.s32 $0xFFFFC000  }
0x2c: {  	[hbm4b:s8+s14] =	stream.strided.scatter [tilespmem:s16], [sflag:$0x2], $0x4000, s15, s14, $0x38;
	[tilespmem:$0x1A400] =	vst v63  }
0x2d: {  	_ =	swait.ge [sflag:s23], $0x4000  }
0x2e: {  	[sflag:s23] =	ssyncset.done $0x0  }
0x2f: {  	s0 =	simm.s32 @!p0 $0x300;
	s10 =	simm.s32 @!p0 $0xA400;
	[sflag:s23] =	ssyncadd.s32 $0xFFFFC000  }
0x30: {  	[tilespmem:s10], [sflag:$0x1] =	stream.indirect.gather @!p0 [hbm4b:s3+s26], $0x80, s0, s26, $0xb8;
	[tilespmem:$0x1A400] =	vst v63  }
0x31: {  	_ =	swait.ge [sflag:s22], $0x4000  }
0x32: {  	[sflag:s22] =	ssyncset.done $0x0  }
0x33: {  	[sflag:s22] =	ssyncadd.s32 $0xFFFFC000  }
0x34: {  	[hbm4b:s7+s14] =	stream.strided.scatter [tilespmem:s18], [sflag:$0x2], $0x4000, s15, s14, $0x38;
	[tilespmem:$0x1A400] =	vst v63  }
0x35: {  	_ =	swait.ge [sflag:s23], $0x4000  }
0x36: {  	[sflag:s23] =	ssyncset.done $0x0  }
0x37: {  	s0 =	simm.s32 @!p0 $0x380;
	s10 =	simm.s32 @!p0 $0xE400;
	[sflag:s23] =	ssyncadd.s32 $0xFFFFC000  }
0x38: {  	[tilespmem:s10], [sflag:$0x1] =	stream.indirect.gather @!p0 [hbm4b:s3+s26], $0x80, s0, s26, $0xb8;
	[tilespmem:$0x1A400] =	vst v63  }
0x39: {  	_ =	swait.ge [sflag:s22], $0x4000  }
0x3a: {  	[sflag:s22] =	ssyncset.done $0x0  }
0x3b: {  	s31 =	simm.s32 $0xA00;
	[sflag:s22] =	ssyncadd.s32 $0xFFFFC000  }
0x3c: {  	[hbm4b:s6+s14] =	stream.strided.scatter [tilespmem:s20], [sflag:$0x2], $0x4000, s15, s14, $0x38;
	[tilespmem:$0x1A400] =	vst v63  }
0x3d: {  	s30 =	sadd.s32 $0x50, s9;
	s29 =	sadd.s32 $0x50, s8;
	_ =	swait.ge [sflag:s23], $0x4000  }
0x3e: {  	p1 =	por $0x0, $0x0;
	s25 =	sadd.s32 $0x50, s1;
	[sflag:s23] =	ssyncset.done $0x0  }
0x3f: {  	s28 =	simm.s32 @!p0 $0x12400;
	s10 =	simm.s32 @!p0 $0x400;
	[sflag:s23] =	ssyncadd.s32 $0xFFFFC000  }
0x40: {  	[tilespmem:s28], [sflag:$0x1] =	stream.indirect.gather @!p0 [hbm4b:s3+s26], $0x80, s10, s26, $0xb8;
	[tilespmem:$0x1A400] =	vst v63  }
0x41: {  	s0 =	simm.s32 $0x1400;
	s28 =	sadd.s32 $0x50, s7;
	_ =	swait.ge [sflag:s22], $0x4000  }
0x42: {  	s26 =	sadd.s32 $0x50, s6;
	s10 =	smov.u32 s1;
	[sflag:s22] =	ssyncset.done $0x0  }
.LBB2_2:
0x43: {  	s11 =	simm.s32 @!p1 $0x2  }
0x44: {  	[sflag:s22] =	ssyncadd.s32 $0xFFFFC000;
	s12 =	smov.u32 s0;
	s0 =	sadd.s32 $0xA00, s0  }
0x45: {  	[hbm4b:s10+s14] =	stream.strided.scatter [tilespmem:s21], [sflag:$0x2], $0x4000, s15, s14, $0x38;
	[tilespmem:$0x1A400] =	vst v63  }
0x46: {  	p0 =	sne.s32 s0, $0x19000;
	s10 =	smov.u32 s25;
	_ =	swait.ge @!p1 [sflag:s11], $0x4000  }
0x47: {  	s17 =	sshra.s32 s31, $0x2;
	[sflag:s11] =	ssyncset.done @!p1 $0x0  }
0x48: {  	[sflag:s11] =	ssyncadd.s32 @!p1 $0xFFFFC000;
	s11 =	sadd.s32 $0x200, s17  }
0x49: {  	[tilespmem:s21], [sflag:$0x1] =	stream.indirect.gather [hbm4b:s3+s14], $0x80, s11, s14, $0xb8;
	[tilespmem:$0x1A400] =	vst v63  }
0x4a: {  	_ =	swait.ge [sflag:s22], $0x4000  }
0x4b: {  	[sflag:s22] =	ssyncset.done $0x0  }
0x4c: {  	[sflag:s22] =	ssyncadd.s32 $0xFFFFC000  }
0x4d: {  	[hbm4b:s30+s14] =	stream.strided.scatter [tilespmem:s15], [sflag:$0x2], $0x4000, s15, s14, $0x38;
	[tilespmem:$0x1A400] =	vst v63  }
0x4e: {  	p1 =	seq.s32 s31, $0x18600;
	_ =	swait.ge [sflag:s23], $0x4000  }
0x4f: {  	s11 =	sshra.s32 @!p1 s31, $0x2;
	s17 =	simm.s32 @!p1 $0x6400;
	[sflag:s23] =	ssyncset.done $0x0  }
0x50: {  	s19 =	simm.s32 @!p1 $0x80;
	s31 =	sadd.s32 @!p1 $0x280, s11;
	[sflag:s23] =	ssyncadd.s32 $0xFFFFC000  }
0x51: {  	[tilespmem:s17], [sflag:$0x1] =	stream.indirect.gather @!p1 [hbm4b:s3+s19], $0x80, s31, s19, $0xb8;
	[tilespmem:$0x1A400] =	vst v63  }
0x52: {  	s2 =	sadd.s32 @!p1 $0x380, s11;
	s17 =	sadd.s32 @!p1 $0x300, s11;
	_ =	swait.ge [sflag:s22], $0x4000  }
0x53: {  	s11 =	sadd.s32 @!p1 $0x400, s11;
	s31 =	smov.u32 s12;
	[sflag:s22] =	ssyncset.done $0x0  }
0x54: {  	[sflag:s22] =	ssyncadd.s32 $0xFFFFC000  }
0x55: {  	[hbm4b:s29+s14] =	stream.strided.scatter [tilespmem:s16], [sflag:$0x2], $0x4000, s15, s14, $0x38;
	[tilespmem:$0x1A400] =	vst v63  }
0x56: {  	_ =	swait.ge [sflag:s23], $0x4000  }
0x57: {  	[sflag:s23] =	ssyncset.done $0x0  }
0x58: {  	s12 =	simm.s32 @!p1 $0xA400;
	[sflag:s23] =	ssyncadd.s32 $0xFFFFC000  }
0x59: {  	[tilespmem:s12], [sflag:$0x1] =	stream.indirect.gather @!p1 [hbm4b:s3+s19], $0x80, s17, s19, $0xb8;
	[tilespmem:$0x1A400] =	vst v63  }
0x5a: {  	_ =	swait.ge [sflag:s22], $0x4000  }
0x5b: {  	[sflag:s22] =	ssyncset.done $0x0  }
0x5c: {  	[sflag:s22] =	ssyncadd.s32 $0xFFFFC000  }
0x5d: {  	[hbm4b:s28+s14] =	stream.strided.scatter [tilespmem:s18], [sflag:$0x2], $0x4000, s15, s14, $0x38;
	[tilespmem:$0x1A400] =	vst v63  }
0x5e: {  	_ =	swait.ge [sflag:s23], $0x4000  }
0x5f: {  	[sflag:s23] =	ssyncset.done $0x0  }
0x60: {  	s12 =	simm.s32 @!p1 $0xE400;
	[sflag:s23] =	ssyncadd.s32 $0xFFFFC000  }
0x61: {  	[tilespmem:s12], [sflag:$0x1] =	stream.indirect.gather @!p1 [hbm4b:s3+s19], $0x80, s2, s19, $0xb8;
	[tilespmem:$0x1A400] =	vst v63  }
0x62: {  	_ =	swait.ge [sflag:s22], $0x4000  }
0x63: {  	[sflag:s22] =	ssyncset.done $0x0  }
0x64: {  	[sflag:s22] =	ssyncadd.s32 $0xFFFFC000  }
0x65: {  	[hbm4b:s26+s14] =	stream.strided.scatter [tilespmem:s20], [sflag:$0x2], $0x4000, s15, s14, $0x38;
	[tilespmem:$0x1A400] =	vst v63  }
0x66: {  	_ =	swait.ge [sflag:s23], $0x4000  }
.Ltmp0:
0x67: {  	s25 =	sadd.s32 $0x50, s25;
	[sflag:s23] =	ssyncset.done $0x0;
	(pc) =	sbr.rel @p0 .LBB2_2-.Ltmp0, $4  }
0x68: {  	s30 =	sadd.s32 $0x50, s30;
	s2 =	simm.s32 @!p1 $0x12400;
	[sflag:s23] =	ssyncadd.s32 $0xFFFFC000  }
0x69: {  	[tilespmem:s2], [sflag:$0x1] =	stream.indirect.gather @!p1 [hbm4b:s3+s19], $0x80, s11, s19, $0xb8;
	[tilespmem:$0x1A400] =	vst v63  }
0x6a: {  	s29 =	sadd.s32 $0x50, s29;
	s28 =	sadd.s32 $0x50, s28;
	_ =	swait.ge [sflag:s22], $0x4000  }
0x6b: {  	s26 =	sadd.s32 $0x50, s26;
	p1 =	seq.s32 s31, $0x0;
	[sflag:s22] =	ssyncset.done $0x0  }
0x6c: {  	s0 =	simm.s32 @!p1 $0x2;
	[sflag:s22] =	ssyncadd.s32 $0xFFFFC000  }
0x6d: {  	[hbm4b:s10+s14] =	stream.strided.scatter [tilespmem:s21], [sflag:$0x2], $0x4000, s15, s14, $0x38;
	[tilespmem:$0x1A400] =	vst v63  }
0x6e: {  	_ =	swait.ge @!p1 [sflag:s0], $0x4000  }
0x6f: {  	s2 =	sshra.s32 s31, $0x2;
	[sflag:s0] =	ssyncset.done @!p1 $0x0  }
0x70: {  	s19 =	sadd.s32 $0x200, s2;
	[sflag:s0] =	ssyncadd.s32 @!p1 $0xFFFFC000  }
0x71: {  	[tilespmem:s21], [sflag:$0x1] =	stream.indirect.gather [hbm4b:s3+s14], $0x80, s19, s14, $0xb8;
	[tilespmem:$0x1A400] =	vst v63  }
0x72: {  	_ =	swait.ge [sflag:s22], $0x4000  }
0x73: {  	[sflag:s22] =	ssyncset.done $0x0  }
0x74: {  	[sflag:s22] =	ssyncadd.s32 $0xFFFFC000  }
0x75: {  	[hbm4b:s30+s14] =	stream.strided.scatter [tilespmem:s15], [sflag:$0x2], $0x4000, s15, s14, $0x38;
	[tilespmem:$0x1A400] =	vst v63  }
0x76: {  	p0 =	seq.s32 s31, $0x18600;
	_ =	swait.ge [sflag:s23], $0x4000  }
0x77: {  	s2 =	simm.s32 @!p0 $0x6400;
	s0 =	sshra.s32 @!p0 s31, $0x2;
	[sflag:s23] =	ssyncset.done $0x0  }
0x78: {  	s11 =	simm.s32 @!p0 $0x80;
	s10 =	sadd.s32 @!p0 $0x280, s0;
	[sflag:s23] =	ssyncadd.s32 $0xFFFFC000  }
0x79: {  	[tilespmem:s2], [sflag:$0x1] =	stream.indirect.gather @!p0 [hbm4b:s3+s11], $0x80, s10, s11, $0xb8;
	[tilespmem:$0x1A400] =	vst v63  }
0x7a: {  	_ =	swait.ge [sflag:s22], $0x4000  }
0x7b: {  	[sflag:s22] =	ssyncset.done $0x0  }
0x7c: {  	[sflag:s22] =	ssyncadd.s32 $0xFFFFC000  }
0x7d: {  	[hbm4b:s29+s14] =	stream.strided.scatter [tilespmem:s16], [sflag:$0x2], $0x4000, s15, s14, $0x38;
	[tilespmem:$0x1A400] =	vst v63  }
0x7e: {  	_ =	swait.ge [sflag:s23], $0x4000  }
0x7f: {  	[sflag:s23] =	ssyncset.done $0x0  }
0x80: {  	s2 =	sadd.s32 @!p0 $0x300, s0;
	s10 =	simm.s32 @!p0 $0xA400;
	[sflag:s23] =	ssyncadd.s32 $0xFFFFC000  }
0x81: {  	[tilespmem:s10], [sflag:$0x1] =	stream.indirect.gather @!p0 [hbm4b:s3+s11], $0x80, s2, s11, $0xb8;
	[tilespmem:$0x1A400] =	vst v63  }
0x82: {  	_ =	swait.ge [sflag:s22], $0x4000  }
0x83: {  	[sflag:s22] =	ssyncset.done $0x0  }
0x84: {  	[sflag:s22] =	ssyncadd.s32 $0xFFFFC000  }
0x85: {  	[hbm4b:s28+s14] =	stream.strided.scatter [tilespmem:s18], [sflag:$0x2], $0x4000, s15, s14, $0x38;
	[tilespmem:$0x1A400] =	vst v63  }
0x86: {  	_ =	swait.ge [sflag:s23], $0x4000  }
0x87: {  	[sflag:s23] =	ssyncset.done $0x0  }
0x88: {  	s2 =	sadd.s32 @!p0 $0x380, s0;
	s10 =	simm.s32 @!p0 $0xE400;
	[sflag:s23] =	ssyncadd.s32 $0xFFFFC000  }
0x89: {  	[tilespmem:s10], [sflag:$0x1] =	stream.indirect.gather @!p0 [hbm4b:s3+s11], $0x80, s2, s11, $0xb8;
	[tilespmem:$0x1A400] =	vst v63  }
0x8a: {  	_ =	swait.ge [sflag:s22], $0x4000  }
0x8b: {  	[sflag:s22] =	ssyncset.done $0x0  }
0x8c: {  	[sflag:s22] =	ssyncadd.s32 $0xFFFFC000  }
0x8d: {  	[hbm4b:s26+s14] =	stream.strided.scatter [tilespmem:s20], [sflag:$0x2], $0x4000, s15, s14, $0x38;
	[tilespmem:$0x1A400] =	vst v63  }
0x8e: {  	_ =	swait.ge [sflag:s23], $0x4000  }
0x8f: {  	[sflag:s23] =	ssyncset.done $0x0  }
0x90: {  	s0 =	sadd.s32 @!p0 $0x400, s0;
	s2 =	simm.s32 @!p0 $0x12400;
	[sflag:s23] =	ssyncadd.s32 $0xFFFFC000  }
0x91: {  	[tilespmem:s2], [sflag:$0x1] =	stream.indirect.gather @!p0 [hbm4b:s3+s11], $0x80, s0, s11, $0xb8;
	[tilespmem:$0x1A400] =	vst v63  }
0x92: {  	s24 =	sadd.s32 $0x1, s24;
	_ =	swait.ge [sflag:s22], $0x4000  }
0x93: {  	p0 =	sne.s32 s24, s5;
	[sflag:s22] =	ssyncset.done $0x0  }
.Ltmp1:
0x94: {  	[sflag:s22] =	ssyncadd.s32 $0xFFFFC000;
	(pc) =	sbr.rel @p0 .LBB2_1-.Ltmp1, $4  }
0x95: {  	[hbm4b:s25+s14] =	stream.strided.scatter [tilespmem:s21], [sflag:$0x2], $0x4000, s15, s14, $0x38;
	[tilespmem:$0x1A400] =	vst v63  }
0x96: {  	_ =	swait.ge [sflag:s23], $0x4000  }
0x97: {  	[sflag:s23] =	ssyncset.done $0x0  }
0x98: {  	[sflag:s23] =	ssyncadd.s32 $0xFFFFC000  }
0x99: {  	_ =	sfence.sel $0x180000  }
0x9a: {  	[bflag:$0x0] =	sbarrier.arrive $0xFFFF  }
0x9b: {  	_ =	strace $0x90000047  }
0x9c: {  	s0 =	stileid.u32;
	[bflag:$0x2] =	sbarrier.arrive $0xFFFF  }
0x9d: {  	p0 =	sne.s32 s0, $0x0;
	s0 =	rddreg [dreg:$0x2]  }
0x9e: {  	s0 =	sadd.s32 @!p0 $0x100000, s0  }
0x9f: {  	[sflag:s0] =	ssyncadd.tile.s32 @!p0 $0x1;
	_ =	shalt  }
.Lfunc_end2:
_tile_overlayer_lowered:
.L_overlay_start_2:
0xa0: {  	(tag) =	ssettag $0x2  }
0xa1: {  	s0 =	rddreg [dreg:$0x0];
	s2 =	stileid.u32  }
0xa2: {  	s1 =	rddreg [dreg:$0x1];
	p0 =	sne.s32 s2, $0x0  }
0xa3: {  	s3 =	rddreg [dreg:$0x2];
	[bflag:$0x3] =	sbarrier.arrive $0xFFFF;
	s2 =	simm.s32 @!p0 $0x1C04  }
0xa4: {  	[timem:s3], [sflag:s2] =	dma.local @!p0 [hbm:s0], s1  }
0xa5: {  	s0 =	simm.s32 @!p0 $0x4  }
0xa6: {  	_ =	swait.ge @!p0 [sflag:s0], s1  }
0xa7: {  	s1 =	ssub.s32 @!p0 $0x0, s1;
	[sflag:s0] =	ssyncset.done @!p0 $0x0  }
0xa8: {  	[sflag:s0] =	ssyncadd.s32 @!p0 s1  }
0xa9: {  	[bflag:$0x3] =	sbarrier.arrive $0xFFFF  }
0xaa: {  	_ =	shalt  }

// kernel: sparse-core-data-format-call.cloned.1.call-start
scs
called_computation_lowered:
.L_overlay_start_0:
0x0: {  	s2 =	sld [smem:$0x3FD9]  }
0x1: {  	s3 =	sld [smem:$0x3FFE];
	_ =	sdelay $0x1  }
0x2: {  	s1 =	srdreg.scid  }
0x3: {  	s0 =	sand.u32 $0x1, s1  }
0x4: {  	s18 =	sshll.u32 s0, $0xA;
	s2 =	sadd.s32 s3, s2  }
0x5: {  	s2 =	sadd.s32 s2, s18  }
0x6: {  	[smem:$0x3FC6] =	sst s2  }
0x7: {  	_ = 	snop  }
0x8: {  	s2 =	sld [smem:$0x3FD0];
	(tm) =	ssettm $0x1  }
0x9: {  	s19 =	sld [smem:$0x3FFB];
	_ =	sdelay $0x3  }
0xa: {  	_ =	strace s19  }
0xb: {  	s3 =	sld [smem:$0x3FFC];
	_ =	sdelay $0x3  }
0xc: {  	_ =	strace s3  }
0xd: {  	s3 =	sld [smem:$0x3FFD];
	_ =	sdelay $0x3  }
0xe: {  	_ =	strace s3  }
0xf: {  	_ =	strace $0x8FFFFFFF  }
0x10: {  	s20 =	sld [smem:$0x3FDB];
	_ =	sdelay $0x1  }
0x11: {  	s4 =	simm.s32 $_scs_section_size  }
0x12: {  	s5 =	simm.s32 $_size__tile_overlayer_lowered;
	s6 =	simm.s32 $_tile_overlayer_lowered  }
0x13: {  	s23 =	simm.s32 $0x1BFF;
	s22 =	sshll.u32 s6, $0x1;
	s3 =	sadd.s32 s4, s20  }
0x14: {  	s7 =	simm.s32 $0x0;
	s21 =	sshll.u32 s5, $0x1;
	s5 =	sadd.s32 s22, s3  }
0x15: {  	[timem:s7], [sflag:s23] =	dma.local [hbm:s5], s21  }
0x16: {  	_ =	swait.ge [sflag:s23], s21  }
0x17: {  	s4 =	ssub.s32 $0x0, s21;
	[sflag:s23] =	ssyncset.done $0x0  }
0x18: {  	[sflag:s23] =	ssyncadd.s32 s4;
	_ =	sdelay $0x1  }
0x19: {  	s24 =	simm.s32 $0x1B8B  }
0x1a: {  	_ =	swait.ge [sflag:s24], $0x1  }
0x1b: {  	[sflag:s24] =	ssyncset.done $0x0  }
0x1c: {  	s26 =	simm.s32 $0x1B8E;
	s25 =	sld [smem:$0x3FFE];
	[sflag:s24] =	ssyncadd.s32 $0xFFFFFFFF  }
0x1d: {  	s27 =	simm.s32 $execute0_lowered;
	[smem:$0x3FD2] =	sst s26  }
0x1e: {  	s5 =	sshll.u32 s27, $0x1;
	_ =	strace $0x80000049;
	[dreg:$0x1] =	wrdreg $0xFFFFFFFF  }
0x1f: {  	s28 =	simm.s32 $_size_execute0_lowered;
	s3 =	sadd.s32 s3, s5;
	[dreg:$0x0] =	wrdreg $0x0  }
0x20: {  	s5 =	sshll.u32 s28, $0x1;
	[dreg:$0x2] =	wrdreg s3  }
0x21: {  	[dreg:$0x3] =	wrdreg s5  }
0x22: {  	[dreg:$0x4] =	wrdreg $0xC0  }
0x23: {  	_ =	task [dreg:s7], $0x5FFFF  }
0x24: {  	[dreg:$0x1] =	wrdreg $0xFFFFFFFF  }
0x25: {  	[dreg:$0x0] =	wrdreg $0x60  }
0x26: {  	[dreg:$0x2] =	wrdreg s25  }
0x27: {  	[dreg:$0x3] =	wrdreg s2  }
0x28: {  	[dreg:$0x4] =	wrdreg $0x9  }
0x29: {  	_ =	task.clear_ibuf [dreg:s7], $0x5FFFF;
	_ =	strace $0x90000049  }
0x2a: {  	s29 =	simm.s32 $0x9;
	_ =	strace $0x8000004B  }
0x2b: {  	_ =	swait.ge [sflag:s29], $0x1  }
0x2c: {  	[sflag:s29] =	ssyncadd.s32 $0xFFFFFFFF  }
0x2d: {  	_ =	strace $0x9000004B  }
0x2e: {  	_ =	sfence  }
0x2f: {  	s30 =	sld [smem:$0x0];
	_ =	sdelay $0x2  }
0x30: {  	s31 =	sshll.u32 s1, $0xD;
	s1 =	sshrl.u32 s1, $0x2  }
0x31: {  	s3 =	sand.u32 $0x4000, s31;
	s1 =	sadd.s32 s1, s30  }
0x32: {  	s0 =	sor.u32 s3, s0;
	s1 =	sshll.u32 s1, $0x11  }
0x33: {  	s0 =	sor.u32 s1, s0  }
0x34: {  	s0 =	sadd.s32 $0x8F2B, s0  }
0x35: {  	[sflag:s0] =	ssyncadd.remote.s32 $0x1  }
0x36: {  	_ =	sfence.sel $0xFFFF  }
0x37: {  	[dreg:$0x0] =	wrdreg $0xFFFFFFFF;
	(pc) =	sbr.abs _section_cstart, $3  }
0x38: {  	[dreg:$0x1] =	wrdreg $0xFFFFFFFF  }
0x39: {  	_ =	task.clear_ibuf [dreg:s7], $0x2FFFF;
	_ =	strace $0x9FFFFFFF  }
0x3a: {  	(tm) =	ssettm $0x7FFFFFFF  }
0x3b: {  	_ =	shalt  }
tec
execute0_lowered:
.L_overlay_start_1:
0x0: {  	(tag) =	ssettag $0x1  }
0x1: {  	s0 =	srdreg.scid  }
0x2: {  	s1 =	sshll.u32 s0, $0x4  }
0x3: {  	s0 =	stileid.u32;
	s1 =	sand.u32 $0x10, s1  }
0x4: {  	s1 =	sor.u32 s0, s1  }
0x5: {  	s6 =	rddreg [dreg:$0x0];
	s4 =	simm.s32 $0x1;
	s2 =	sshll.u32 s1, $0x7  }
0x6: {  	s7 =	simm.s32 $0x2;
	s12 =	simm.s32 $0x0;
	s1 =	ssub.s32 $0x1000, s2  }
0x7: {  	s8 =	simm.s32 $0x8000;
	s13 =	simm.s32 $0x0;
	s3 =	sand.u32 $0xF80, s1  }
0x8: {  	s9 =	simm.s32 $0x0;
	s5 =	sshrl.u32 s1, $0xC;
	p0 =	sne.s32 s3, $0x0  }
.Ltmp0:
0x9: {  	s1 =	rddreg [dreg:$0x2];
	s4 =	simm.s32 @!p0 $0x0;
	(pc) =	sbr.rel .LBB1_1-.Ltmp0, $4  }
0xa: {  	s11 =	simm.s32 $0x0;
	s3 =	rddreg [dreg:$0x1];
	s5 =	sadd.s32 s4, s5  }
0xb: {  	_ =	strace $0x8000004A;
	s4 =	simm.s32 $0x1;
	s5 =	smul.u32 $0xC8, s5  }
0xc: {  	s6 =	sadd.s32 $0x800, s6;
	s10 =	smov.u32 s2;
	[sflag:s4] =	ssyncpa.u1 $0x0  }
0xd: {  	p0 =	por $0x0, $0x0;
	[sflag:s7] =	ssyncpa.u1 $0x0;
	s7 =	sor.u32 $0x1, s5  }
.LBB1_4:
0xe: {  	s16 =	sshll.u32 s13, $0x3;
	s17 =	sand.u32 $0x78, s13  }
0xf: {  	s30 =	sand.u32 $0x7E00, s13;
	s12 =	sshll.u32 s12, $0xF;
	s16 =	sand.u32 $0xC00, s16  }
0x10: {  	[tilespmem:s15+$0x810 ss:$0x81] =	vst.msk $0xffff, v2;
	s31 =	sand.u32 $0x7, s13;
	s16 =	sor.u32 s17, s16;
	s17 =	sadd.s32 s3, s30  }
0x11: {  	[tilespmem:s15+$0x1020 ss:$0x81] =	vst.msk $0xffff, v0;
	s13 =	sshll.u32 s31, $0x12;
	s12 =	sadd.s32 s12, s17;
	s16 =	sshrl.u32 s16, $0x3  }
0x12: {  	[tilespmem:s15+$0x0 ss:$0x81] =	vst.msk $0xffff, v1;
	s13 =	sor.u32 $0x400, s13;
	s12 =	sadd.s32 s16, s12  }
0x13: {  	[hbm4b:s12+s13] =	stream.strided.scatter [tilespmem:s14], [sflag:$0x2], $0x2000, s8, s13, $0x20;
	[tilespmem:$0x8080] =	vst v63  }
.LBB1_5:
0x14: {  	s14 =	sadd.s32 $0x1, s9  }
0x15: {  	s12 =	sadd.s32 $0x1000, s10;
	s16 =	smov.u32 s10;
	p2 =	sgt.s32 s14, $0xC7  }
0x16: {  	s16 =	smov.u32 @p2 s12  }
0x17: {  	s14 =	simm.s32 @p2 $0x0;
	p2 =	sgt.s32 s16, $0xFFF  }
0x18: {  	s16 =	smov.u32 @p2 s2;
	p2 =	sne.s32 s11, s7  }
.Ltmp1:
0x19: {  	p1 =	slt.u32 s11, $0x2;
	(pc) =	sbr.rel @!p2 .LBB1_6-.Ltmp1, $4  }
0x1a: {  	s15 =	simm.s32 @!p1 $0x2  }
0x1b: {  	s13 =	smov.u32 s10;
	p0 =	por !p0, !p0;
	_ =	swait.ge @!p1 [sflag:s15], $0x2000  }
0x1c: {  	s12 =	smov.u32 s9;
	[sflag:s15] =	ssyncset.done @!p1 $0x0;
	s9 =	smov.u32 s14  }
0x1d: {  	s11 =	sadd.s32 $0x1, s11;
	[sflag:s15] =	ssyncadd.s32 @!p1 $0xFFFFE000;
	s10 =	smov.u32 s16  }
.LBB1_1:
0x1e: {  	p1 =	sge.u32 s11, s5  }
0x1f: {  	s14 =	sand.u32 @!p1 $0x1FFFFFF, s9  }
0x20: {  	s15 =	smulhi.u32 @!p1 $0x147AE15, s14;
	_ =	sdelay $0x1  }
0x21: {  	s15 =	smul.u32 @!p1 $0xC8, s15  }
0x22: {  	s16 =	sxor.u32 @!p1 $0xFFFFFFFF, s11;
	s17 =	smul.u32 @!p1 $0xC80, s10  }
0x23: {  	s31 =	sadd.s32 $0xFFFFFFFF, s11;
	s16 =	sshll.u32 @!p1 s16, $0xD;
	s14 =	ssub.s32 @!p1 s14, s15  }
0x24: {  	s15 =	sand.u32 @!p1 $0x2000, s16;
	s16 =	sadd.s32 @!p1 s6, s17;
	s14 =	sshll.u32 @!p1 s14, $0x4  }
0x25: {  	s17 =	simm.s32 @!p1 $0x6400;
	s14 =	sadd.s32 @!p1 s14, s16;
	s16 =	simm.s32 @!p1 $0x40  }
0x26: {  	[tilespmem:s15], [sflag:$0x1] =	stream.strided.gather @!p1 [hbm4b:s14+s16], $0x2000, s17, s16, $0x38;
	[tilespmem:$0x8080] =	vst v63  }
0x27: {  	p1 =	sge.u32 s31, s5  }
.Ltmp2:
0x28: {  	_ = 	snop;
	(pc) =	sbr.rel @p1 .LBB1_5-.Ltmp2, $1  }
0x29: {  	_ =	sdelay $0x3  }
0x2a: {  	s14 =	simm.s32 $0x1  }
0x2b: {  	_ =	swait.ge [sflag:s4], $0x2000;
	s14 =	simm.s32 @!p0 $0x0  }
0x2c: {  	[sflag:s4] =	ssyncset.done $0x0;
	s15 =	sshll.u32 s14, $0xD  }
0x2d: {  	[sflag:s4] =	ssyncadd.s32 $0xFFFFE000;
	s18 =	sor.u32 $0x20, s15  }
0x2e: {  	s14 =	smul.u32 $0x8100, s14;
	v3 =	vld [tilespmem:s18+$0x10]  }
0x2f: {  	s30 =	sand.u32 $0x1, s11;
	v2 =	vld [tilespmem:s18+$0xFFFFFFF0]  }
0x30: {  	s15 =	smul.u32 $0x8100, s30;
	s14 =	sshrl.u32 s14, $0x2;
	v0 =	vld [tilespmem:s18+$0x0]  }
0x31: {  	v1 =	vld [tilespmem:s18+$0xFFFFFFE0];
	s16 =	sor.u32 $0x4000, s14  }
0x32: {  	s31 =	sshrl.u32 s15, $0x2;
	s15 =	sadd.s32 $0x0, s16  }
0x33: {  	s17 =	simm.s32 $0x4;
	s18 =	sadd.s32 $0x40, s18;
	s14 =	sor.u32 $0x4000, s31;
	[tilespmem:s15+$0x1830 ss:$0x81] =	vst.msk $0xffff, v3  }
.LBB1_3:
0x34: {  	v3 =	vld [tilespmem:s18+$0x10];
	p1 =	sne.s32 s17, $0x1FC;
	[tilespmem:s15+$0x810 ss:$0x81] =	vst.msk $0xffff, v2;
	s19 =	smov.u32 s17;
	s17 =	sadd.s32 $0x4, s17  }
.Ltmp3:
0x35: {  	v2 =	vld [tilespmem:s18+$0xFFFFFFF0];
	[tilespmem:s15+$0x1020 ss:$0x81] =	vst.msk $0xffff, v0;
	(pc) =	sbr.rel @p1 .LBB1_3-.Ltmp3, $4  }
0x36: {  	v0 =	vld [tilespmem:s18+$0x0];
	[tilespmem:s15+$0x0 ss:$0x81] =	vst.msk $0xffff, v1  }
0x37: {  	s15 =	sshra.s32 s19, $0x2;
	v1 =	vld [tilespmem:s18+$0xFFFFFFE0]  }
0x38: {  	s15 =	sadd.s32 s15, s16  }
0x39: {  	s18 =	sadd.s32 $0x40, s18;
	[tilespmem:s15+$0x1830 ss:$0x81] =	vst.msk $0xffff, v3  }
.Ltmp4:
0x3a: {  	_ = 	snop;
	(pc) =	sbr.rel .LBB1_4-.Ltmp4, $1  }
0x3b: {  	_ =	sdelay $0x3  }
.LBB1_6:
0x3c: {  	_ =	sfence.sel $0x180000  }
0x3d: {  	s2 =	simm.s32 $0x1;
	[bflag:$0x0] =	sbarrier.arrive $0xFFFF  }
0x3e: {  	s31 =	simm.s32 $0x2;
	[sflag:s2] =	ssyncpa.u1 $0x1  }
0x3f: {  	[sflag:s31] =	ssyncpa.u1 $0x1  }
0x40: {  	p0 =	sne.s32 s0, $0x0;
	_ =	strace $0x9000004A  }
0x41: {  	s0 =	sadd.s32 @!p0 $0x100000, s1;
	[bflag:$0x2] =	sbarrier.arrive $0xFFFF  }
0x42: {  	[sflag:s0] =	ssyncadd.tile.s32 @!p0 $0x1;
	_ =	shalt  }
.Lfunc_end1:
_tile_overlayer_lowered:
.L_overlay_start_2:
0x43: {  	(tag) =	ssettag $0x2  }
0x44: {  	s0 =	rddreg [dreg:$0x0];
	s2 =	stileid.u32  }
0x45: {  	s1 =	rddreg [dreg:$0x1];
	p0 =	sne.s32 s2, $0x0  }
0x46: {  	s3 =	rddreg [dreg:$0x2];
	[bflag:$0x3] =	sbarrier.arrive $0xFFFF;
	s2 =	simm.s32 @!p0 $0x1C01  }
0x47: {  	[timem:s3], [sflag:s2] =	dma.local @!p0 [hbm:s0], s1  }
0x48: {  	s0 =	simm.s32 @!p0 $0x1  }
0x49: {  	_ =	swait.ge @!p0 [sflag:s0], s1  }
0x4a: {  	s1 =	ssub.s32 @!p0 $0x0, s1;
	[sflag:s0] =	ssyncset.done @!p0 $0x0  }
0x4b: {  	[sflag:s0] =	ssyncadd.s32 @!p0 s1  }
0x4c: {  	[bflag:$0x3] =	sbarrier.arrive $0xFFFF  }
0x4d: {  	_ =	shalt  }

</sc_bundles>
